<compile_context>
chip_gen: v7x
topology: tpu7x:2x2x1
jax: 0.10.2.dev20260603
libtpu: 0.0.44.dev20260713+nightly
codegen_flags: <defaults>
</compile_context>

<pallas_src>
import functools

import numpy as np

import jax
import jax.numpy as jnp
from jax import lax
from jax.experimental import pallas as pl
from jax.experimental.pallas import tpu as pltpu
from jax.experimental.pallas import tpu_sc as plsc

N_CAT = 100000
EMBED_DIM = 64
BATCH = 16384
FIELDS = 100

_INFO = plsc.get_sparse_core_info()
NC, NS = _INFO.num_cores, _INFO.num_subcores
NW = NC * NS
BW = BATCH // NW
HB = BW // 2
BT_U = 2
PAD = 129


def _body(obs_hbm, table_hbm, out_hbm,
          idx_all, rows0, rows1, tr0, tr1,
          isem, gsem0, gsem1, wsem0, wsem1):
  wid = lax.axis_index("s") * NC + lax.axis_index("c")
  b0 = wid * BW
  btg0 = wid * (BW // 128)
  rows = (rows0, rows1)
  trs = (tr0, tr1)
  gsems = (gsem0, gsem1)
  wsems = (wsem0, wsem1)
  iota = lax.iota(jnp.int32, 16)

  def out_dst(p, s):
    return out_hbm.at[p, pl.ds(0, 8), pl.ds(btg0 + s * BT_U, BT_U)]

  def tr_win(t):
    return trs[t].at[pl.ds(0, 8), pl.ds(0, BT_U), pl.ds(0, 8), pl.ds(0, 128)]

  def idx_ref(p, s):
    return idx_all.at[p, pl.ds(s * HB, HB)]

  def fire_gather(p, s, buf):
    pltpu.async_copy(table_hbm.at[idx_ref(p, s)], rows[buf], gsems[buf])

  i0c = tuple((iota + e0) // 8 for e0 in range(0, EMBED_DIM, 16))
  i2c = tuple((iota + e0) % 8 for e0 in range(0, EMBED_DIM, 16))

  def tpose(src, t):
    tr = trs[t]

    @plsc.parallel_loop(0, BT_U * 8)
    def grp_body(g):
      bt = g // 8
      j0 = (g % 8) * 16
      i1 = jnp.zeros((16,), jnp.int32) + bt
      for jj in range(0, 16, 2):
        b = bt * 128 + j0 + jj
        i3a = jnp.zeros((16,), jnp.int32) + (j0 + jj)
        i3b = jnp.zeros((16,), jnp.int32) + (j0 + jj + 1)
        vsa = [src[b, pl.ds(q * 16, 16)] for q in range(4)]
        vsb = [src[b + 1, pl.ds(q * 16, 16)] for q in range(4)]
        for q in range(4):
          plsc.store_scatter(tr, [i0c[q], i1, i2c[q], i3a], vsa[q])
        for q in range(4):
          plsc.store_scatter(tr, [i0c[q], i1, i2c[q], i3b], vsb[q])

  pltpu.async_copy(obs_hbm.at[pl.ds(0, FIELDS), pl.ds(b0, BW)], idx_all,
                   isem).wait()
  fire_gather(0, 0, 0)
  fire_gather(0, 1, 1)

  def pair(p, carry):
    for s in (0, 1):
      pltpu.make_async_copy(
          table_hbm.at[idx_ref(p, s)], rows[s], gsems[s]).wait()
      @pl.when(p >= 1)
      def _():
        pltpu.make_async_copy(tr_win(s), out_dst(0, 0), wsems[s]).wait()
      pltpu.async_copy(tr_win(s), out_dst(p, s), wsems[s])
      @pl.when(p + 1 < FIELDS)
      def _():
        fire_gather(p + 1, s, s)
    return carry

  lax.fori_loop(0, FIELDS, pair, 0)

  pltpu.make_async_copy(tr_win(0), out_dst(0, 0), wsems[0]).wait()
  pltpu.make_async_copy(tr_win(1), out_dst(0, 0), wsems[1]).wait()


@jax.jit
def kernel(obs, table):
  obs_t = obs.T.astype(jnp.int32)
  mesh = plsc.VectorSubcoreMesh(core_axis_name="c", subcore_axis_name="s")
  out5 = pl.kernel(
      _body,
      out_type=jax.ShapeDtypeStruct((FIELDS, 8, 128, 8, 128), jnp.float32),
      mesh=mesh,
      scratch_types=[
          pltpu.VMEM((FIELDS, BW), jnp.int32),
          pltpu.VMEM((HB, EMBED_DIM), jnp.float32),
          pltpu.VMEM((HB, EMBED_DIM), jnp.float32),
          pltpu.VMEM((8, BT_U, 8, PAD), jnp.float32),
          pltpu.VMEM((8, BT_U, 8, PAD), jnp.float32),
          pltpu.SemaphoreType.DMA,
          pltpu.SemaphoreType.DMA,
          pltpu.SemaphoreType.DMA,
          pltpu.SemaphoreType.DMA,
          pltpu.SemaphoreType.DMA,
      ],
      compiler_params=pltpu.CompilerParams(
          use_tc_tiling_on_sc=False, needs_layout_passes=False,
          disable_bounds_checks=True),
  )(obs_t, table)
  return out5.transpose(2, 4, 0, 1, 3).reshape(BATCH, FIELDS, EMBED_DIM)

# --- scband reference (transcript-rebuilt; emitter-appended) ---
"""Pipeline reference for scband-categorical-featurizer-6219112645044 (READ-ONLY COPY).

The authoritative reference and input builder live on the scoring server;
editing this copy changes nothing except your own understanding.
"""

import jax, jax.numpy as jnp
import numpy as np

N_CAT = 100000
EMBED_DIM = 64
BATCH = 16384
FIELDS = 100

def setup_inputs(seed: int = 0) -> dict:
    key = jax.random.key(seed)
    k1, k2 = jax.random.split(key)
    obs = jax.random.randint(k1, (BATCH, FIELDS), 0, N_CAT, dtype=jnp.int64 if jax.config.jax_enable_x64 else jnp.int32)
    table = jax.random.normal(k2, (N_CAT, EMBED_DIM), dtype=jnp.float32)
    return {"obs": obs, "table": table}

def reference(obs, table):
    # one_hot_encode_features=False -> nn.Embedding lookup
    return jnp.take(table, obs, axis=0)

if __name__ == "__main__":
    import jax
    _d = setup_inputs()
    print(jax.jit(kernel)(*tuple(_d.values())))

</pallas_src>

<mosaic_0001>
#map = affine_map<(d0, d1) -> (0, 0)>
#map1 = affine_map<(d0, d1) -> (0, 0, 0, 0, 0)>
module attributes {stable_mosaic.version = 14 : i64} {
  func.func @_body(%arg0: i32, %arg1: i32, %arg2: memref<100x16384xi32, #tpu.memory_space<hbm>>, %arg3: memref<100000x64xf32, #tpu.memory_space<hbm>>, %arg4: memref<100x8x128x8x128xf32, #tpu.memory_space<hbm>>, %arg5: memref<100x512xi32, #tpu.memory_space<vmem>>, %arg6: memref<256x64xf32, #tpu.memory_space<vmem>>, %arg7: memref<256x64xf32, #tpu.memory_space<vmem>>, %arg8: memref<8x2x8x129xf32, #tpu.memory_space<vmem>>, %arg9: memref<8x2x8x129xf32, #tpu.memory_space<vmem>>, %arg10: memref<!tpu.dma_semaphore, #tpu.memory_space<semaphore_mem>>, %arg11: memref<!tpu.dma_semaphore, #tpu.memory_space<semaphore_mem>>, %arg12: memref<!tpu.dma_semaphore, #tpu.memory_space<semaphore_mem>>, %arg13: memref<!tpu.dma_semaphore, #tpu.memory_space<semaphore_mem>>, %arg14: memref<!tpu.dma_semaphore, #tpu.memory_space<semaphore_mem>>) attributes {dimension_semantics = [#tpu.dimension_semantics<core_parallel>, #tpu.dimension_semantics<subcore_parallel>], iteration_bounds = array<i64: 2, 16>, scalar_prefetch = 0 : i64, scratch_operands = 10 : i64, tpu.core_type = #tpu.core_type<sc_vector_subcore>, window_params = [{transform_indices = #map}, {transform_indices = #map}, {transform_indices = #map1}]} {
    %mul3A = arith.constant 2 : i32
    %mul3A_0 = arith.muli %arg1, %mul3A : i32
    %add3A = arith.addi %mul3A_0, %arg0 : i32
    %mul3A_1 = arith.constant 512 : i32
    %mul3A_2 = arith.muli %add3A, %mul3A_1 : i32
    %mul3A_3 = arith.constant 4 : i32
    %mul3A_4 = arith.muli %add3A, %mul3A_3 : i32
    %iota3A = tpu.iota {dimensions = array<i32: 0>} : vector<16xi32>
    %add3A_5 = arith.constant 0 : i32
    %add3A_6 = vector.broadcast %add3A_5 : i32 to vector<16xi32>
    %add3A_7 = arith.addi %iota3A, %add3A_6 : vector<16xi32>
    %jit3A = arith.constant 8 : i32
    %div3A = vector.broadcast %jit3A : i32 to vector<16xi32>
    %div3A_8 = arith.divsi %add3A_7, %div3A : vector<16xi32>
    %sign3A = arith.constant 0 : i32
    %sign3A_9 = vector.broadcast %sign3A : i32 to vector<16xi32>
    %sign3A_10 = arith.cmpi sgt, %add3A_7, %sign3A_9 : vector<16xi32>
    %sign3A_11 = arith.extui %sign3A_10 : vector<16xi1> to vector<16xi32>
    %sign3A_12 = arith.constant 0 : i32
    %sign3A_13 = vector.broadcast %sign3A_12 : i32 to vector<16xi32>
    %sign3A_14 = arith.cmpi slt, %add3A_7, %sign3A_13 : vector<16xi32>
    %sign3A_15 = arith.extui %sign3A_14 : vector<16xi1> to vector<16xi32>
    %sign3A_16 = arith.subi %sign3A_11, %sign3A_15 : vector<16xi32>
    %sign3A_17 = arith.constant 0 : i32
    %sign3A_18 = arith.cmpi sgt, %jit3A, %sign3A_17 : i32
    %sign3A_19 = arith.extui %sign3A_18 : i1 to i32
    %sign3A_20 = arith.constant 0 : i32
    %sign3A_21 = arith.cmpi slt, %jit3A, %sign3A_20 : i32
    %sign3A_22 = arith.extui %sign3A_21 : i1 to i32
    %sign3A_23 = arith.subi %sign3A_19, %sign3A_22 : i32
    %ne3A = vector.broadcast %sign3A_23 : i32 to vector<16xi32>
    %ne3A_24 = arith.cmpi ne, %sign3A_16, %ne3A : vector<16xi32>
    %rem3A = vector.broadcast %jit3A : i32 to vector<16xi32>
    %rem3A_25 = arith.remsi %add3A_7, %rem3A : vector<16xi32>
    %ne3A_26 = arith.constant 0 : i32
    %ne3A_27 = vector.broadcast %ne3A_26 : i32 to vector<16xi32>
    %ne3A_28 = arith.cmpi ne, %rem3A_25, %ne3A_27 : vector<16xi32>
    %and3A = arith.andi %ne3A_24, %ne3A_28 : vector<16xi1>
    %sub3A = arith.constant 1 : i32
    %sub3A_29 = vector.broadcast %sub3A : i32 to vector<16xi32>
    %sub3A_30 = arith.subi %div3A_8, %sub3A_29 : vector<16xi32>
    %select_n3A = arith.select %and3A, %sub3A_30, %div3A_8 : vector<16xi1>, vector<16xi32>
    %add3A_31 = arith.constant 16 : i32
    %add3A_32 = vector.broadcast %add3A_31 : i32 to vector<16xi32>
    %add3A_33 = arith.addi %iota3A, %add3A_32 : vector<16xi32>
    %jit3A_34 = arith.constant 8 : i32
    %div3A_35 = vector.broadcast %jit3A_34 : i32 to vector<16xi32>
    %div3A_36 = arith.divsi %add3A_33, %div3A_35 : vector<16xi32>
    %sign3A_37 = arith.constant 0 : i32
    %sign3A_38 = vector.broadcast %sign3A_37 : i32 to vector<16xi32>
    %sign3A_39 = arith.cmpi sgt, %add3A_33, %sign3A_38 : vector<16xi32>
    %sign3A_40 = arith.extui %sign3A_39 : vector<16xi1> to vector<16xi32>
    %sign3A_41 = arith.constant 0 : i32
    %sign3A_42 = vector.broadcast %sign3A_41 : i32 to vector<16xi32>
    %sign3A_43 = arith.cmpi slt, %add3A_33, %sign3A_42 : vector<16xi32>
    %sign3A_44 = arith.extui %sign3A_43 : vector<16xi1> to vector<16xi32>
    %sign3A_45 = arith.subi %sign3A_40, %sign3A_44 : vector<16xi32>
    %sign3A_46 = arith.constant 0 : i32
    %sign3A_47 = arith.cmpi sgt, %jit3A_34, %sign3A_46 : i32
    %sign3A_48 = arith.extui %sign3A_47 : i1 to i32
    %sign3A_49 = arith.constant 0 : i32
    %sign3A_50 = arith.cmpi slt, %jit3A_34, %sign3A_49 : i32
    %sign3A_51 = arith.extui %sign3A_50 : i1 to i32
    %sign3A_52 = arith.subi %sign3A_48, %sign3A_51 : i32
    %ne3A_53 = vector.broadcast %sign3A_52 : i32 to vector<16xi32>
    %ne3A_54 = arith.cmpi ne, %sign3A_45, %ne3A_53 : vector<16xi32>
    %rem3A_55 = vector.broadcast %jit3A_34 : i32 to vector<16xi32>
    %rem3A_56 = arith.remsi %add3A_33, %rem3A_55 : vector<16xi32>
    %ne3A_57 = arith.constant 0 : i32
    %ne3A_58 = vector.broadcast %ne3A_57 : i32 to vector<16xi32>
    %ne3A_59 = arith.cmpi ne, %rem3A_56, %ne3A_58 : vector<16xi32>
    %and3A_60 = arith.andi %ne3A_54, %ne3A_59 : vector<16xi1>
    %sub3A_61 = arith.constant 1 : i32
    %sub3A_62 = vector.broadcast %sub3A_61 : i32 to vector<16xi32>
    %sub3A_63 = arith.subi %div3A_36, %sub3A_62 : vector<16xi32>
    %select_n3A_64 = arith.select %and3A_60, %sub3A_63, %div3A_36 : vector<16xi1>, vector<16xi32>
    %add3A_65 = arith.constant 32 : i32
    %add3A_66 = vector.broadcast %add3A_65 : i32 to vector<16xi32>
    %add3A_67 = arith.addi %iota3A, %add3A_66 : vector<16xi32>
    %jit3A_68 = arith.constant 8 : i32
    %div3A_69 = vector.broadcast %jit3A_68 : i32 to vector<16xi32>
    %div3A_70 = arith.divsi %add3A_67, %div3A_69 : vector<16xi32>
    %sign3A_71 = arith.constant 0 : i32
    %sign3A_72 = vector.broadcast %sign3A_71 : i32 to vector<16xi32>
    %sign3A_73 = arith.cmpi sgt, %add3A_67, %sign3A_72 : vector<16xi32>
    %sign3A_74 = arith.extui %sign3A_73 : vector<16xi1> to vector<16xi32>
    %sign3A_75 = arith.constant 0 : i32
    %sign3A_76 = vector.broadcast %sign3A_75 : i32 to vector<16xi32>
    %sign3A_77 = arith.cmpi slt, %add3A_67, %sign3A_76 : vector<16xi32>
    %sign3A_78 = arith.extui %sign3A_77 : vector<16xi1> to vector<16xi32>
    %sign3A_79 = arith.subi %sign3A_74, %sign3A_78 : vector<16xi32>
    %sign3A_80 = arith.constant 0 : i32
    %sign3A_81 = arith.cmpi sgt, %jit3A_68, %sign3A_80 : i32
    %sign3A_82 = arith.extui %sign3A_81 : i1 to i32
    %sign3A_83 = arith.constant 0 : i32
    %sign3A_84 = arith.cmpi slt, %jit3A_68, %sign3A_83 : i32
    %sign3A_85 = arith.extui %sign3A_84 : i1 to i32
    %sign3A_86 = arith.subi %sign3A_82, %sign3A_85 : i32
    %ne3A_87 = vector.broadcast %sign3A_86 : i32 to vector<16xi32>
    %ne3A_88 = arith.cmpi ne, %sign3A_79, %ne3A_87 : vector<16xi32>
    %rem3A_89 = vector.broadcast %jit3A_68 : i32 to vector<16xi32>
    %rem3A_90 = arith.remsi %add3A_67, %rem3A_89 : vector<16xi32>
    %ne3A_91 = arith.constant 0 : i32
    %ne3A_92 = vector.broadcast %ne3A_91 : i32 to vector<16xi32>
    %ne3A_93 = arith.cmpi ne, %rem3A_90, %ne3A_92 : vector<16xi32>
    %and3A_94 = arith.andi %ne3A_88, %ne3A_93 : vector<16xi1>
    %sub3A_95 = arith.constant 1 : i32
    %sub3A_96 = vector.broadcast %sub3A_95 : i32 to vector<16xi32>
    %sub3A_97 = arith.subi %div3A_70, %sub3A_96 : vector<16xi32>
    %select_n3A_98 = arith.select %and3A_94, %sub3A_97, %div3A_70 : vector<16xi1>, vector<16xi32>
    %add3A_99 = arith.constant 48 : i32
    %add3A_100 = vector.broadcast %add3A_99 : i32 to vector<16xi32>
    %add3A_101 = arith.addi %iota3A, %add3A_100 : vector<16xi32>
    %jit3A_102 = arith.constant 8 : i32
    %div3A_103 = vector.broadcast %jit3A_102 : i32 to vector<16xi32>
    %div3A_104 = arith.divsi %add3A_101, %div3A_103 : vector<16xi32>
    %sign3A_105 = arith.constant 0 : i32
    %sign3A_106 = vector.broadcast %sign3A_105 : i32 to vector<16xi32>
    %sign3A_107 = arith.cmpi sgt, %add3A_101, %sign3A_106 : vector<16xi32>
    %sign3A_108 = arith.extui %sign3A_107 : vector<16xi1> to vector<16xi32>
    %sign3A_109 = arith.constant 0 : i32
    %sign3A_110 = vector.broadcast %sign3A_109 : i32 to vector<16xi32>
    %sign3A_111 = arith.cmpi slt, %add3A_101, %sign3A_110 : vector<16xi32>
    %sign3A_112 = arith.extui %sign3A_111 : vector<16xi1> to vector<16xi32>
    %sign3A_113 = arith.subi %sign3A_108, %sign3A_112 : vector<16xi32>
    %sign3A_114 = arith.constant 0 : i32
    %sign3A_115 = arith.cmpi sgt, %jit3A_102, %sign3A_114 : i32
    %sign3A_116 = arith.extui %sign3A_115 : i1 to i32
    %sign3A_117 = arith.constant 0 : i32
    %sign3A_118 = arith.cmpi slt, %jit3A_102, %sign3A_117 : i32
    %sign3A_119 = arith.extui %sign3A_118 : i1 to i32
    %sign3A_120 = arith.subi %sign3A_116, %sign3A_119 : i32
    %ne3A_121 = vector.broadcast %sign3A_120 : i32 to vector<16xi32>
    %ne3A_122 = arith.cmpi ne, %sign3A_113, %ne3A_121 : vector<16xi32>
    %rem3A_123 = vector.broadcast %jit3A_102 : i32 to vector<16xi32>
    %rem3A_124 = arith.remsi %add3A_101, %rem3A_123 : vector<16xi32>
    %ne3A_125 = arith.constant 0 : i32
    %ne3A_126 = vector.broadcast %ne3A_125 : i32 to vector<16xi32>
    %ne3A_127 = arith.cmpi ne, %rem3A_124, %ne3A_126 : vector<16xi32>
    %and3A_128 = arith.andi %ne3A_122, %ne3A_127 : vector<16xi1>
    %sub3A_129 = arith.constant 1 : i32
    %sub3A_130 = vector.broadcast %sub3A_129 : i32 to vector<16xi32>
    %sub3A_131 = arith.subi %div3A_104, %sub3A_130 : vector<16xi32>
    %select_n3A_132 = arith.select %and3A_128, %sub3A_131, %div3A_104 : vector<16xi1>, vector<16xi32>
    %add3A_133 = arith.constant 0 : i32
    %add3A_134 = vector.broadcast %add3A_133 : i32 to vector<16xi32>
    %add3A_135 = arith.addi %iota3A, %add3A_134 : vector<16xi32>
    %jit3A_136 = arith.constant 8 : i32
    %eq3A = arith.constant 0 : i32
    %eq3A_137 = arith.cmpi eq, %jit3A_136, %eq3A : i32
    %jit3A_138 = arith.constant 1 : i32
    %select_n3A_139 = arith.select %eq3A_137, %jit3A_138, %jit3A_136 : i32
    %rem3A_140 = vector.broadcast %select_n3A_139 : i32 to vector<16xi32>
    %rem3A_141 = arith.remsi %add3A_135, %rem3A_140 : vector<16xi32>
    %ne3A_142 = arith.constant 0 : i32
    %ne3A_143 = vector.broadcast %ne3A_142 : i32 to vector<16xi32>
    %ne3A_144 = arith.cmpi ne, %rem3A_141, %ne3A_143 : vector<16xi32>
    %lt3A = arith.constant 0 : i32
    %lt3A_145 = vector.broadcast %lt3A : i32 to vector<16xi32>
    %lt3A_146 = arith.cmpi slt, %rem3A_141, %lt3A_145 : vector<16xi32>
    %lt3A_147 = arith.constant 0 : i32
    %lt3A_148 = arith.cmpi slt, %select_n3A_139, %lt3A_147 : i32
    %ne3A_149 = vector.broadcast %lt3A_148 : i1 to vector<16xi1>
    %ne3A_150 = vector.broadcast %ne3A_149 : vector<16xi1> to vector<16xi1>
    %ne3A_151 = arith.xori %lt3A_146, %ne3A_150 : vector<16xi1>
    %and3A_152 = arith.andi %ne3A_151, %ne3A_144 : vector<16xi1>
    %add3A_153 = vector.broadcast %select_n3A_139 : i32 to vector<16xi32>
    %add3A_154 = arith.addi %rem3A_141, %add3A_153 : vector<16xi32>
    %select_n3A_155 = arith.select %and3A_152, %add3A_154, %rem3A_141 : vector<16xi1>, vector<16xi32>
    %add3A_156 = arith.constant 16 : i32
    %add3A_157 = vector.broadcast %add3A_156 : i32 to vector<16xi32>
    %add3A_158 = arith.addi %iota3A, %add3A_157 : vector<16xi32>
    %jit3A_159 = arith.constant 8 : i32
    %eq3A_160 = arith.constant 0 : i32
    %eq3A_161 = arith.cmpi eq, %jit3A_159, %eq3A_160 : i32
    %jit3A_162 = arith.constant 1 : i32
    %select_n3A_163 = arith.select %eq3A_161, %jit3A_162, %jit3A_159 : i32
    %rem3A_164 = vector.broadcast %select_n3A_163 : i32 to vector<16xi32>
    %rem3A_165 = arith.remsi %add3A_158, %rem3A_164 : vector<16xi32>
    %ne3A_166 = arith.constant 0 : i32
    %ne3A_167 = vector.broadcast %ne3A_166 : i32 to vector<16xi32>
    %ne3A_168 = arith.cmpi ne, %rem3A_165, %ne3A_167 : vector<16xi32>
    %lt3A_169 = arith.constant 0 : i32
    %lt3A_170 = vector.broadcast %lt3A_169 : i32 to vector<16xi32>
    %lt3A_171 = arith.cmpi slt, %rem3A_165, %lt3A_170 : vector<16xi32>
    %lt3A_172 = arith.constant 0 : i32
    %lt3A_173 = arith.cmpi slt, %select_n3A_163, %lt3A_172 : i32
    %ne3A_174 = vector.broadcast %lt3A_173 : i1 to vector<16xi1>
    %ne3A_175 = vector.broadcast %ne3A_174 : vector<16xi1> to vector<16xi1>
    %ne3A_176 = arith.xori %lt3A_171, %ne3A_175 : vector<16xi1>
    %and3A_177 = arith.andi %ne3A_176, %ne3A_168 : vector<16xi1>
    %add3A_178 = vector.broadcast %select_n3A_163 : i32 to vector<16xi32>
    %add3A_179 = arith.addi %rem3A_165, %add3A_178 : vector<16xi32>
    %select_n3A_180 = arith.select %and3A_177, %add3A_179, %rem3A_165 : vector<16xi1>, vector<16xi32>
    %add3A_181 = arith.constant 32 : i32
    %add3A_182 = vector.broadcast %add3A_181 : i32 to vector<16xi32>
    %add3A_183 = arith.addi %iota3A, %add3A_182 : vector<16xi32>
    %jit3A_184 = arith.constant 8 : i32
    %eq3A_185 = arith.constant 0 : i32
    %eq3A_186 = arith.cmpi eq, %jit3A_184, %eq3A_185 : i32
    %jit3A_187 = arith.constant 1 : i32
    %select_n3A_188 = arith.select %eq3A_186, %jit3A_187, %jit3A_184 : i32
    %rem3A_189 = vector.broadcast %select_n3A_188 : i32 to vector<16xi32>
    %rem3A_190 = arith.remsi %add3A_183, %rem3A_189 : vector<16xi32>
    %ne3A_191 = arith.constant 0 : i32
    %ne3A_192 = vector.broadcast %ne3A_191 : i32 to vector<16xi32>
    %ne3A_193 = arith.cmpi ne, %rem3A_190, %ne3A_192 : vector<16xi32>
    %lt3A_194 = arith.constant 0 : i32
    %lt3A_195 = vector.broadcast %lt3A_194 : i32 to vector<16xi32>
    %lt3A_196 = arith.cmpi slt, %rem3A_190, %lt3A_195 : vector<16xi32>
    %lt3A_197 = arith.constant 0 : i32
    %lt3A_198 = arith.cmpi slt, %select_n3A_188, %lt3A_197 : i32
    %ne3A_199 = vector.broadcast %lt3A_198 : i1 to vector<16xi1>
    %ne3A_200 = vector.broadcast %ne3A_199 : vector<16xi1> to vector<16xi1>
    %ne3A_201 = arith.xori %lt3A_196, %ne3A_200 : vector<16xi1>
    %and3A_202 = arith.andi %ne3A_201, %ne3A_193 : vector<16xi1>
    %add3A_203 = vector.broadcast %select_n3A_188 : i32 to vector<16xi32>
    %add3A_204 = arith.addi %rem3A_190, %add3A_203 : vector<16xi32>
    %select_n3A_205 = arith.select %and3A_202, %add3A_204, %rem3A_190 : vector<16xi1>, vector<16xi32>
    %add3A_206 = arith.constant 48 : i32
    %add3A_207 = vector.broadcast %add3A_206 : i32 to vector<16xi32>
    %add3A_208 = arith.addi %iota3A, %add3A_207 : vector<16xi32>
    %jit3A_209 = arith.constant 8 : i32
    %eq3A_210 = arith.constant 0 : i32
    %eq3A_211 = arith.cmpi eq, %jit3A_209, %eq3A_210 : i32
    %jit3A_212 = arith.constant 1 : i32
    %select_n3A_213 = arith.select %eq3A_211, %jit3A_212, %jit3A_209 : i32
    %rem3A_214 = vector.broadcast %select_n3A_213 : i32 to vector<16xi32>
    %rem3A_215 = arith.remsi %add3A_208, %rem3A_214 : vector<16xi32>
    %ne3A_216 = arith.constant 0 : i32
    %ne3A_217 = vector.broadcast %ne3A_216 : i32 to vector<16xi32>
    %ne3A_218 = arith.cmpi ne, %rem3A_215, %ne3A_217 : vector<16xi32>
    %lt3A_219 = arith.constant 0 : i32
    %lt3A_220 = vector.broadcast %lt3A_219 : i32 to vector<16xi32>
    %lt3A_221 = arith.cmpi slt, %rem3A_215, %lt3A_220 : vector<16xi32>
    %lt3A_222 = arith.constant 0 : i32
    %lt3A_223 = arith.cmpi slt, %select_n3A_213, %lt3A_222 : i32
    %ne3A_224 = vector.broadcast %lt3A_223 : i1 to vector<16xi1>
    %ne3A_225 = vector.broadcast %ne3A_224 : vector<16xi1> to vector<16xi1>
    %ne3A_226 = arith.xori %lt3A_221, %ne3A_225 : vector<16xi1>
    %and3A_227 = arith.andi %ne3A_226, %ne3A_218 : vector<16xi1>
    %add3A_228 = vector.broadcast %select_n3A_213 : i32 to vector<16xi32>
    %add3A_229 = arith.addi %rem3A_215, %add3A_228 : vector<16xi32>
    %select_n3A_230 = arith.select %and3A_227, %add3A_229, %rem3A_215 : vector<16xi1>, vector<16xi32>
    %dma_start3A = arith.constant 0 : i32
    %dma_start3A_231 = tpu.memref_slice %arg2[%dma_start3A, %mul3A_2] : memref<100x16384xi32, #tpu.memory_space<hbm>> -> memref<100x512xi32, #tpu.memory_space<hbm>>
    %dma_start3A_232 = arith.constant 0 : i32
    %dma_start3A_233 = tpu.memref_slice %arg2[%dma_start3A_232, %mul3A_2] : memref<100x16384xi32, #tpu.memory_space<hbm>> -> memref<100x512xi32, #tpu.memory_space<hbm>>
    tpu.enqueue_dma source(%dma_start3A_233 : memref<100x512xi32, #tpu.memory_space<hbm>>) target(%arg5 : memref<100x512xi32, #tpu.memory_space<vmem>>) target_semaphore(%arg10 : memref<!tpu.dma_semaphore, #tpu.memory_space<semaphore_mem>>)
    %dma_wait3A = arith.constant 0 : i32
    %dma_wait3A_234 = tpu.memref_slice %arg2[%dma_wait3A, %mul3A_2] : memref<100x16384xi32, #tpu.memory_space<hbm>> -> memref<100x512xi32, #tpu.memory_space<hbm>>
    %dma_wait3A_235 = arith.constant 0 : i32
    %dma_wait3A_236 = tpu.memref_slice %arg2[%dma_wait3A_235, %mul3A_2] : memref<100x16384xi32, #tpu.memory_space<hbm>> -> memref<100x512xi32, #tpu.memory_space<hbm>>
    tpu.wait_dma2 semaphore(%arg10 : memref<!tpu.dma_semaphore, #tpu.memory_space<semaphore_mem>>) src(%dma_wait3A_236 : memref<100x512xi32, #tpu.memory_space<hbm>>) dst(%arg5 : memref<100x512xi32, #tpu.memory_space<vmem>>)
    %dma_start3A_237 = arith.constant 0 : i32
    %dma_start3A_238 = arith.constant 0 : i32
    %dma_start3A_239 = tpu.memref_slice %arg5[%dma_start3A_237, %dma_start3A_238] : memref<100x512xi32, #tpu.memory_space<vmem>> -> memref<1x256xi32, #tpu.memory_space<vmem>>
    %dma_start3A_240 = tpu.memref_squeeze %dma_start3A_239 : memref<1x256xi32, #tpu.memory_space<vmem>> -> memref<256xi32, #tpu.memory_space<vmem>>
    %dma_start3A_241 = arith.constant 0 : i32
    %dma_start3A_242 = arith.constant 0 : i32
    %dma_start3A_243 = tpu.memref_slice %arg3[%dma_start3A_241, %dma_start3A_242] : memref<100000x64xf32, #tpu.memory_space<hbm>> -> memref<100000x64xf32, #tpu.memory_space<hbm>>
    tpu.enqueue_indirect_dma source(%dma_start3A_243 : memref<100000x64xf32, #tpu.memory_space<hbm>>) target(%arg6 : memref<256x64xf32, #tpu.memory_space<vmem>>) offsets(%dma_start3A_240 : memref<256xi32, #tpu.memory_space<vmem>>) semaphore(%arg11 : memref<!tpu.dma_semaphore, #tpu.memory_space<semaphore_mem>>)
    %dma_start3A_244 = arith.constant 0 : i32
    %dma_start3A_245 = arith.constant 256 : i32
    %dma_start3A_246 = tpu.memref_slice %arg5[%dma_start3A_244, %dma_start3A_245] : memref<100x512xi32, #tpu.memory_space<vmem>> -> memref<1x256xi32, #tpu.memory_space<vmem>>
    %dma_start3A_247 = tpu.memref_squeeze %dma_start3A_246 : memref<1x256xi32, #tpu.memory_space<vmem>> -> memref<256xi32, #tpu.memory_space<vmem>>
    %dma_start3A_248 = arith.constant 0 : i32
    %dma_start3A_249 = arith.constant 0 : i32
    %dma_start3A_250 = tpu.memref_slice %arg3[%dma_start3A_248, %dma_start3A_249] : memref<100000x64xf32, #tpu.memory_space<hbm>> -> memref<100000x64xf32, #tpu.memory_space<hbm>>
    tpu.enqueue_indirect_dma source(%dma_start3A_250 : memref<100000x64xf32, #tpu.memory_space<hbm>>) target(%arg7 : memref<256x64xf32, #tpu.memory_space<vmem>>) offsets(%dma_start3A_247 : memref<256xi32, #tpu.memory_space<vmem>>) semaphore(%arg12 : memref<!tpu.dma_semaphore, #tpu.memory_space<semaphore_mem>>)
    %scan3A = arith.constant 0 : i32
    %scan3A_251 = arith.constant 0 : i32
    %scan3A_252 = arith.constant 100 : i32
    %scan3A_253 = arith.addi %scan3A_251, %scan3A_252 : i32
    %scan3A_254 = arith.constant 1 : i32
    scf.for %scan3A_302 = %scan3A_251 to %scan3A_253 step %scan3A_254  : i32 {
      %dma_wait3A_303 = arith.constant 0 : i32
      %dma_wait3A_304 = tpu.memref_slice %arg5[%scan3A_302, %dma_wait3A_303] : memref<100x512xi32, #tpu.memory_space<vmem>> -> memref<1x256xi32, #tpu.memory_space<vmem>>
      %dma_wait3A_305 = tpu.memref_squeeze %dma_wait3A_304 : memref<1x256xi32, #tpu.memory_space<vmem>> -> memref<256xi32, #tpu.memory_space<vmem>>
      %dma_wait3A_306 = arith.constant 0 : i32
      %dma_wait3A_307 = arith.constant 0 : i32
      %dma_wait3A_308 = tpu.memref_slice %arg3[%dma_wait3A_306, %dma_wait3A_307] : memref<100000x64xf32, #tpu.memory_space<hbm>> -> memref<100000x64xf32, #tpu.memory_space<hbm>>
      tpu.wait_indirect_dma semaphore(%arg11 : memref<!tpu.dma_semaphore, #tpu.memory_space<semaphore_mem>>) src(%dma_wait3A_308 : memref<100000x64xf32, #tpu.memory_space<hbm>>) dst(%arg6 : memref<256x64xf32, #tpu.memory_space<vmem>>)
      %ge3A = arith.constant 1 : i32
      %ge3A_309 = arith.cmpi sge, %scan3A_302, %ge3A : i32
      %convert_element_type3A = arith.extui %ge3A_309 : i1 to i32
      %cond3A = arith.constant 0 : i32
      %cond3A_310 = arith.cmpi ne, %convert_element_type3A, %cond3A : i32
      scf.if %cond3A_310 {
        %add3A_380 = arith.constant 0 : i32
        %add3A_381 = arith.addi %mul3A_4, %add3A_380 : i32
        %dma_wait3A_382 = arith.constant 0 : i32
        %dma_wait3A_383 = arith.constant 0 : i32
        %dma_wait3A_384 = arith.constant 0 : i32
        %dma_wait3A_385 = arith.constant 0 : i32
        %dma_wait3A_386 = arith.constant 0 : i32
        %dma_wait3A_387 = tpu.memref_slice %arg8[%dma_wait3A_383, %dma_wait3A_384, %dma_wait3A_385, %dma_wait3A_386] : memref<8x2x8x129xf32, #tpu.memory_space<vmem>> -> memref<8x2x8x128xf32, #tpu.memory_space<vmem>>
        %dma_wait3A_388 = arith.constant 0 : i32
        %dma_wait3A_389 = arith.constant 0 : i32
        %dma_wait3A_390 = arith.constant 0 : i32
        %dma_wait3A_391 = tpu.memref_slice %arg4[%dma_wait3A_382, %dma_wait3A_388, %add3A_381, %dma_wait3A_389, %dma_wait3A_390] : memref<100x8x128x8x128xf32, #tpu.memory_space<hbm>> -> memref<1x8x2x8x128xf32, #tpu.memory_space<hbm>>
        %dma_wait3A_392 = tpu.memref_squeeze %dma_wait3A_391 : memref<1x8x2x8x128xf32, #tpu.memory_space<hbm>> -> memref<8x2x8x128xf32, #tpu.memory_space<hbm>>
        %dma_wait3A_393 = arith.constant 0 : i32
        %dma_wait3A_394 = arith.constant 0 : i32
        %dma_wait3A_395 = arith.constant 0 : i32
        %dma_wait3A_396 = tpu.memref_slice %arg4[%dma_wait3A_382, %dma_wait3A_393, %add3A_381, %dma_wait3A_394, %dma_wait3A_395] : memref<100x8x128x8x128xf32, #tpu.memory_space<hbm>> -> memref<1x8x2x8x128xf32, #tpu.memory_space<hbm>>
        %dma_wait3A_397 = tpu.memref_squeeze %dma_wait3A_396 : memref<1x8x2x8x128xf32, #tpu.memory_space<hbm>> -> memref<8x2x8x128xf32, #tpu.memory_space<hbm>>
        %dma_wait3A_398 = arith.constant 0 : i32
        %dma_wait3A_399 = arith.constant 0 : i32
        %dma_wait3A_400 = arith.constant 0 : i32
        %dma_wait3A_401 = arith.constant 0 : i32
        %dma_wait3A_402 = tpu.memref_slice %arg8[%dma_wait3A_398, %dma_wait3A_399, %dma_wait3A_400, %dma_wait3A_401] : memref<8x2x8x129xf32, #tpu.memory_space<vmem>> -> memref<8x2x8x128xf32, #tpu.memory_space<vmem>>
        tpu.wait_dma2 semaphore(%arg13 : memref<!tpu.dma_semaphore, #tpu.memory_space<semaphore_mem>>) src(%dma_wait3A_402 : memref<8x2x8x128xf32, #tpu.memory_space<vmem>>) dst(%dma_wait3A_397 : memref<8x2x8x128xf32, #tpu.memory_space<hbm>>)
      } else {
      }
      %add3A_311 = arith.constant 0 : i32
      %add3A_312 = arith.addi %mul3A_4, %add3A_311 : i32
      %dma_start3A_313 = arith.constant 0 : i32
      %dma_start3A_314 = arith.constant 0 : i32
      %dma_start3A_315 = arith.constant 0 : i32
      %dma_start3A_316 = arith.constant 0 : i32
      %dma_start3A_317 = tpu.memref_slice %arg8[%dma_start3A_313, %dma_start3A_314, %dma_start3A_315, %dma_start3A_316] : memref<8x2x8x129xf32, #tpu.memory_space<vmem>> -> memref<8x2x8x128xf32, #tpu.memory_space<vmem>>
      %dma_start3A_318 = arith.constant 0 : i32
      %dma_start3A_319 = arith.constant 0 : i32
      %dma_start3A_320 = arith.constant 0 : i32
      %dma_start3A_321 = tpu.memref_slice %arg4[%scan3A_302, %dma_start3A_318, %add3A_312, %dma_start3A_319, %dma_start3A_320] : memref<100x8x128x8x128xf32, #tpu.memory_space<hbm>> -> memref<1x8x2x8x128xf32, #tpu.memory_space<hbm>>
      %dma_start3A_322 = tpu.memref_squeeze %dma_start3A_321 : memref<1x8x2x8x128xf32, #tpu.memory_space<hbm>> -> memref<8x2x8x128xf32, #tpu.memory_space<hbm>>
      %dma_start3A_323 = arith.constant 0 : i32
      %dma_start3A_324 = arith.constant 0 : i32
      %dma_start3A_325 = arith.constant 0 : i32
      %dma_start3A_326 = tpu.memref_slice %arg4[%scan3A_302, %dma_start3A_323, %add3A_312, %dma_start3A_324, %dma_start3A_325] : memref<100x8x128x8x128xf32, #tpu.memory_space<hbm>> -> memref<1x8x2x8x128xf32, #tpu.memory_space<hbm>>
      %dma_start3A_327 = tpu.memref_squeeze %dma_start3A_326 : memref<1x8x2x8x128xf32, #tpu.memory_space<hbm>> -> memref<8x2x8x128xf32, #tpu.memory_space<hbm>>
      %dma_start3A_328 = arith.constant 0 : i32
      %dma_start3A_329 = arith.constant 0 : i32
      %dma_start3A_330 = arith.constant 0 : i32
      %dma_start3A_331 = arith.constant 0 : i32
      %dma_start3A_332 = tpu.memref_slice %arg8[%dma_start3A_328, %dma_start3A_329, %dma_start3A_330, %dma_start3A_331] : memref<8x2x8x129xf32, #tpu.memory_space<vmem>> -> memref<8x2x8x128xf32, #tpu.memory_space<vmem>>
      tpu.enqueue_dma source(%dma_start3A_332 : memref<8x2x8x128xf32, #tpu.memory_space<vmem>>) target(%dma_start3A_327 : memref<8x2x8x128xf32, #tpu.memory_space<hbm>>) target_semaphore(%arg13 : memref<!tpu.dma_semaphore, #tpu.memory_space<semaphore_mem>>)
      %add3A_333 = arith.constant 1 : i32
      %add3A_334 = arith.addi %scan3A_302, %add3A_333 : i32
      %lt3A_335 = arith.constant 100 : i32
      %lt3A_336 = arith.cmpi slt, %add3A_334, %lt3A_335 : i32
      %convert_element_type3A_337 = arith.extui %lt3A_336 : i1 to i32
      %cond3A_338 = arith.constant 0 : i32
      %cond3A_339 = arith.cmpi ne, %convert_element_type3A_337, %cond3A_338 : i32
      scf.if %cond3A_339 {
        %add3A_380 = arith.constant 1 : i32
        %add3A_381 = arith.addi %scan3A_302, %add3A_380 : i32
        %dma_start3A_382 = arith.constant 0 : i32
        %dma_start3A_383 = tpu.memref_slice %arg5[%add3A_381, %dma_start3A_382] : memref<100x512xi32, #tpu.memory_space<vmem>> -> memref<1x256xi32, #tpu.memory_space<vmem>>
        %dma_start3A_384 = tpu.memref_squeeze %dma_start3A_383 : memref<1x256xi32, #tpu.memory_space<vmem>> -> memref<256xi32, #tpu.memory_space<vmem>>
        %dma_start3A_385 = arith.constant 0 : i32
        %dma_start3A_386 = arith.constant 0 : i32
        %dma_start3A_387 = tpu.memref_slice %arg3[%dma_start3A_385, %dma_start3A_386] : memref<100000x64xf32, #tpu.memory_space<hbm>> -> memref<100000x64xf32, #tpu.memory_space<hbm>>
        tpu.enqueue_indirect_dma source(%dma_start3A_387 : memref<100000x64xf32, #tpu.memory_space<hbm>>) target(%arg6 : memref<256x64xf32, #tpu.memory_space<vmem>>) offsets(%dma_start3A_384 : memref<256xi32, #tpu.memory_space<vmem>>) semaphore(%arg11 : memref<!tpu.dma_semaphore, #tpu.memory_space<semaphore_mem>>)
      } else {
      }
      %dma_wait3A_340 = arith.constant 256 : i32
      %dma_wait3A_341 = tpu.memref_slice %arg5[%scan3A_302, %dma_wait3A_340] : memref<100x512xi32, #tpu.memory_space<vmem>> -> memref<1x256xi32, #tpu.memory_space<vmem>>
      %dma_wait3A_342 = tpu.memref_squeeze %dma_wait3A_341 : memref<1x256xi32, #tpu.memory_space<vmem>> -> memref<256xi32, #tpu.memory_space<vmem>>
      %dma_wait3A_343 = arith.constant 0 : i32
      %dma_wait3A_344 = arith.constant 0 : i32
      %dma_wait3A_345 = tpu.memref_slice %arg3[%dma_wait3A_343, %dma_wait3A_344] : memref<100000x64xf32, #tpu.memory_space<hbm>> -> memref<100000x64xf32, #tpu.memory_space<hbm>>
      tpu.wait_indirect_dma semaphore(%arg12 : memref<!tpu.dma_semaphore, #tpu.memory_space<semaphore_mem>>) src(%dma_wait3A_345 : memref<100000x64xf32, #tpu.memory_space<hbm>>) dst(%arg7 : memref<256x64xf32, #tpu.memory_space<vmem>>)
      %ge3A_346 = arith.constant 1 : i32
      %ge3A_347 = arith.cmpi sge, %scan3A_302, %ge3A_346 : i32
      %convert_element_type3A_348 = arith.extui %ge3A_347 : i1 to i32
      %cond3A_349 = arith.constant 0 : i32
      %cond3A_350 = arith.cmpi ne, %convert_element_type3A_348, %cond3A_349 : i32
      scf.if %cond3A_350 {
        %add3A_380 = arith.constant 0 : i32
        %add3A_381 = arith.addi %mul3A_4, %add3A_380 : i32
        %dma_wait3A_382 = arith.constant 0 : i32
        %dma_wait3A_383 = arith.constant 0 : i32
        %dma_wait3A_384 = arith.constant 0 : i32
        %dma_wait3A_385 = arith.constant 0 : i32
        %dma_wait3A_386 = arith.constant 0 : i32
        %dma_wait3A_387 = tpu.memref_slice %arg9[%dma_wait3A_383, %dma_wait3A_384, %dma_wait3A_385, %dma_wait3A_386] : memref<8x2x8x129xf32, #tpu.memory_space<vmem>> -> memref<8x2x8x128xf32, #tpu.memory_space<vmem>>
        %dma_wait3A_388 = arith.constant 0 : i32
        %dma_wait3A_389 = arith.constant 0 : i32
        %dma_wait3A_390 = arith.constant 0 : i32
        %dma_wait3A_391 = tpu.memref_slice %arg4[%dma_wait3A_382, %dma_wait3A_388, %add3A_381, %dma_wait3A_389, %dma_wait3A_390] : memref<100x8x128x8x128xf32, #tpu.memory_space<hbm>> -> memref<1x8x2x8x128xf32, #tpu.memory_space<hbm>>
        %dma_wait3A_392 = tpu.memref_squeeze %dma_wait3A_391 : memref<1x8x2x8x128xf32, #tpu.memory_space<hbm>> -> memref<8x2x8x128xf32, #tpu.memory_space<hbm>>
        %dma_wait3A_393 = arith.constant 0 : i32
        %dma_wait3A_394 = arith.constant 0 : i32
        %dma_wait3A_395 = arith.constant 0 : i32
        %dma_wait3A_396 = tpu.memref_slice %arg4[%dma_wait3A_382, %dma_wait3A_393, %add3A_381, %dma_wait3A_394, %dma_wait3A_395] : memref<100x8x128x8x128xf32, #tpu.memory_space<hbm>> -> memref<1x8x2x8x128xf32, #tpu.memory_space<hbm>>
        %dma_wait3A_397 = tpu.memref_squeeze %dma_wait3A_396 : memref<1x8x2x8x128xf32, #tpu.memory_space<hbm>> -> memref<8x2x8x128xf32, #tpu.memory_space<hbm>>
        %dma_wait3A_398 = arith.constant 0 : i32
        %dma_wait3A_399 = arith.constant 0 : i32
        %dma_wait3A_400 = arith.constant 0 : i32
        %dma_wait3A_401 = arith.constant 0 : i32
        %dma_wait3A_402 = tpu.memref_slice %arg9[%dma_wait3A_398, %dma_wait3A_399, %dma_wait3A_400, %dma_wait3A_401] : memref<8x2x8x129xf32, #tpu.memory_space<vmem>> -> memref<8x2x8x128xf32, #tpu.memory_space<vmem>>
        tpu.wait_dma2 semaphore(%arg14 : memref<!tpu.dma_semaphore, #tpu.memory_space<semaphore_mem>>) src(%dma_wait3A_402 : memref<8x2x8x128xf32, #tpu.memory_space<vmem>>) dst(%dma_wait3A_397 : memref<8x2x8x128xf32, #tpu.memory_space<hbm>>)
      } else {
      }
      %add3A_351 = arith.constant 2 : i32
      %add3A_352 = arith.addi %mul3A_4, %add3A_351 : i32
      %dma_start3A_353 = arith.constant 0 : i32
      %dma_start3A_354 = arith.constant 0 : i32
      %dma_start3A_355 = arith.constant 0 : i32
      %dma_start3A_356 = arith.constant 0 : i32
      %dma_start3A_357 = tpu.memref_slice %arg9[%dma_start3A_353, %dma_start3A_354, %dma_start3A_355, %dma_start3A_356] : memref<8x2x8x129xf32, #tpu.memory_space<vmem>> -> memref<8x2x8x128xf32, #tpu.memory_space<vmem>>
      %dma_start3A_358 = arith.constant 0 : i32
      %dma_start3A_359 = arith.constant 0 : i32
      %dma_start3A_360 = arith.constant 0 : i32
      %dma_start3A_361 = tpu.memref_slice %arg4[%scan3A_302, %dma_start3A_358, %add3A_352, %dma_start3A_359, %dma_start3A_360] : memref<100x8x128x8x128xf32, #tpu.memory_space<hbm>> -> memref<1x8x2x8x128xf32, #tpu.memory_space<hbm>>
      %dma_start3A_362 = tpu.memref_squeeze %dma_start3A_361 : memref<1x8x2x8x128xf32, #tpu.memory_space<hbm>> -> memref<8x2x8x128xf32, #tpu.memory_space<hbm>>
      %dma_start3A_363 = arith.constant 0 : i32
      %dma_start3A_364 = arith.constant 0 : i32
      %dma_start3A_365 = arith.constant 0 : i32
      %dma_start3A_366 = tpu.memref_slice %arg4[%scan3A_302, %dma_start3A_363, %add3A_352, %dma_start3A_364, %dma_start3A_365] : memref<100x8x128x8x128xf32, #tpu.memory_space<hbm>> -> memref<1x8x2x8x128xf32, #tpu.memory_space<hbm>>
      %dma_start3A_367 = tpu.memref_squeeze %dma_start3A_366 : memref<1x8x2x8x128xf32, #tpu.memory_space<hbm>> -> memref<8x2x8x128xf32, #tpu.memory_space<hbm>>
      %dma_start3A_368 = arith.constant 0 : i32
      %dma_start3A_369 = arith.constant 0 : i32
      %dma_start3A_370 = arith.constant 0 : i32
      %dma_start3A_371 = arith.constant 0 : i32
      %dma_start3A_372 = tpu.memref_slice %arg9[%dma_start3A_368, %dma_start3A_369, %dma_start3A_370, %dma_start3A_371] : memref<8x2x8x129xf32, #tpu.memory_space<vmem>> -> memref<8x2x8x128xf32, #tpu.memory_space<vmem>>
      tpu.enqueue_dma source(%dma_start3A_372 : memref<8x2x8x128xf32, #tpu.memory_space<vmem>>) target(%dma_start3A_367 : memref<8x2x8x128xf32, #tpu.memory_space<hbm>>) target_semaphore(%arg14 : memref<!tpu.dma_semaphore, #tpu.memory_space<semaphore_mem>>)
      %add3A_373 = arith.constant 1 : i32
      %add3A_374 = arith.addi %scan3A_302, %add3A_373 : i32
      %lt3A_375 = arith.constant 100 : i32
      %lt3A_376 = arith.cmpi slt, %add3A_374, %lt3A_375 : i32
      %convert_element_type3A_377 = arith.extui %lt3A_376 : i1 to i32
      %cond3A_378 = arith.constant 0 : i32
      %cond3A_379 = arith.cmpi ne, %convert_element_type3A_377, %cond3A_378 : i32
      scf.if %cond3A_379 {
        %add3A_380 = arith.constant 1 : i32
        %add3A_381 = arith.addi %scan3A_302, %add3A_380 : i32
        %dma_start3A_382 = arith.constant 256 : i32
        %dma_start3A_383 = tpu.memref_slice %arg5[%add3A_381, %dma_start3A_382] : memref<100x512xi32, #tpu.memory_space<vmem>> -> memref<1x256xi32, #tpu.memory_space<vmem>>
        %dma_start3A_384 = tpu.memref_squeeze %dma_start3A_383 : memref<1x256xi32, #tpu.memory_space<vmem>> -> memref<256xi32, #tpu.memory_space<vmem>>
        %dma_start3A_385 = arith.constant 0 : i32
        %dma_start3A_386 = arith.constant 0 : i32
        %dma_start3A_387 = tpu.memref_slice %arg3[%dma_start3A_385, %dma_start3A_386] : memref<100000x64xf32, #tpu.memory_space<hbm>> -> memref<100000x64xf32, #tpu.memory_space<hbm>>
        tpu.enqueue_indirect_dma source(%dma_start3A_387 : memref<100000x64xf32, #tpu.memory_space<hbm>>) target(%arg7 : memref<256x64xf32, #tpu.memory_space<vmem>>) offsets(%dma_start3A_384 : memref<256xi32, #tpu.memory_space<vmem>>) semaphore(%arg12 : memref<!tpu.dma_semaphore, #tpu.memory_space<semaphore_mem>>)
      } else {
      }
    }
    %scan3A_255 = arith.constant 100 : i32
    %add3A_256 = arith.constant 0 : i32
    %add3A_257 = arith.addi %mul3A_4, %add3A_256 : i32
    %dma_wait3A_258 = arith.constant 0 : i32
    %dma_wait3A_259 = arith.constant 0 : i32
    %dma_wait3A_260 = arith.constant 0 : i32
    %dma_wait3A_261 = arith.constant 0 : i32
    %dma_wait3A_262 = arith.constant 0 : i32
    %dma_wait3A_263 = tpu.memref_slice %arg8[%dma_wait3A_259, %dma_wait3A_260, %dma_wait3A_261, %dma_wait3A_262] : memref<8x2x8x129xf32, #tpu.memory_space<vmem>> -> memref<8x2x8x128xf32, #tpu.memory_space<vmem>>
    %dma_wait3A_264 = arith.constant 0 : i32
    %dma_wait3A_265 = arith.constant 0 : i32
    %dma_wait3A_266 = arith.constant 0 : i32
    %dma_wait3A_267 = tpu.memref_slice %arg4[%dma_wait3A_258, %dma_wait3A_264, %add3A_257, %dma_wait3A_265, %dma_wait3A_266] : memref<100x8x128x8x128xf32, #tpu.memory_space<hbm>> -> memref<1x8x2x8x128xf32, #tpu.memory_space<hbm>>
    %dma_wait3A_268 = tpu.memref_squeeze %dma_wait3A_267 : memref<1x8x2x8x128xf32, #tpu.memory_space<hbm>> -> memref<8x2x8x128xf32, #tpu.memory_space<hbm>>
    %dma_wait3A_269 = arith.constant 0 : i32
    %dma_wait3A_270 = arith.constant 0 : i32
    %dma_wait3A_271 = arith.constant 0 : i32
    %dma_wait3A_272 = tpu.memref_slice %arg4[%dma_wait3A_258, %dma_wait3A_269, %add3A_257, %dma_wait3A_270, %dma_wait3A_271] : memref<100x8x128x8x128xf32, #tpu.memory_space<hbm>> -> memref<1x8x2x8x128xf32, #tpu.memory_space<hbm>>
    %dma_wait3A_273 = tpu.memref_squeeze %dma_wait3A_272 : memref<1x8x2x8x128xf32, #tpu.memory_space<hbm>> -> memref<8x2x8x128xf32, #tpu.memory_space<hbm>>
    %dma_wait3A_274 = arith.constant 0 : i32
    %dma_wait3A_275 = arith.constant 0 : i32
    %dma_wait3A_276 = arith.constant 0 : i32
    %dma_wait3A_277 = arith.constant 0 : i32
    %dma_wait3A_278 = tpu.memref_slice %arg8[%dma_wait3A_274, %dma_wait3A_275, %dma_wait3A_276, %dma_wait3A_277] : memref<8x2x8x129xf32, #tpu.memory_space<vmem>> -> memref<8x2x8x128xf32, #tpu.memory_space<vmem>>
    tpu.wait_dma2 semaphore(%arg13 : memref<!tpu.dma_semaphore, #tpu.memory_space<semaphore_mem>>) src(%dma_wait3A_278 : memref<8x2x8x128xf32, #tpu.memory_space<vmem>>) dst(%dma_wait3A_273 : memref<8x2x8x128xf32, #tpu.memory_space<hbm>>)
    %add3A_279 = arith.constant 0 : i32
    %add3A_280 = arith.addi %mul3A_4, %add3A_279 : i32
    %dma_wait3A_281 = arith.constant 0 : i32
    %dma_wait3A_282 = arith.constant 0 : i32
    %dma_wait3A_283 = arith.constant 0 : i32
    %dma_wait3A_284 = arith.constant 0 : i32
    %dma_wait3A_285 = arith.constant 0 : i32
    %dma_wait3A_286 = tpu.memref_slice %arg9[%dma_wait3A_282, %dma_wait3A_283, %dma_wait3A_284, %dma_wait3A_285] : memref<8x2x8x129xf32, #tpu.memory_space<vmem>> -> memref<8x2x8x128xf32, #tpu.memory_space<vmem>>
    %dma_wait3A_287 = arith.constant 0 : i32
    %dma_wait3A_288 = arith.constant 0 : i32
    %dma_wait3A_289 = arith.constant 0 : i32
    %dma_wait3A_290 = tpu.memref_slice %arg4[%dma_wait3A_281, %dma_wait3A_287, %add3A_280, %dma_wait3A_288, %dma_wait3A_289] : memref<100x8x128x8x128xf32, #tpu.memory_space<hbm>> -> memref<1x8x2x8x128xf32, #tpu.memory_space<hbm>>
    %dma_wait3A_291 = tpu.memref_squeeze %dma_wait3A_290 : memref<1x8x2x8x128xf32, #tpu.memory_space<hbm>> -> memref<8x2x8x128xf32, #tpu.memory_space<hbm>>
    %dma_wait3A_292 = arith.constant 0 : i32
    %dma_wait3A_293 = arith.constant 0 : i32
    %dma_wait3A_294 = arith.constant 0 : i32
    %dma_wait3A_295 = tpu.memref_slice %arg4[%dma_wait3A_281, %dma_wait3A_292, %add3A_280, %dma_wait3A_293, %dma_wait3A_294] : memref<100x8x128x8x128xf32, #tpu.memory_space<hbm>> -> memref<1x8x2x8x128xf32, #tpu.memory_space<hbm>>
    %dma_wait3A_296 = tpu.memref_squeeze %dma_wait3A_295 : memref<1x8x2x8x128xf32, #tpu.memory_space<hbm>> -> memref<8x2x8x128xf32, #tpu.memory_space<hbm>>
    %dma_wait3A_297 = arith.constant 0 : i32
    %dma_wait3A_298 = arith.constant 0 : i32
    %dma_wait3A_299 = arith.constant 0 : i32
    %dma_wait3A_300 = arith.constant 0 : i32
    %dma_wait3A_301 = tpu.memref_slice %arg9[%dma_wait3A_297, %dma_wait3A_298, %dma_wait3A_299, %dma_wait3A_300] : memref<8x2x8x129xf32, #tpu.memory_space<vmem>> -> memref<8x2x8x128xf32, #tpu.memory_space<vmem>>
    tpu.wait_dma2 semaphore(%arg14 : memref<!tpu.dma_semaphore, #tpu.memory_space<semaphore_mem>>) src(%dma_wait3A_301 : memref<8x2x8x128xf32, #tpu.memory_space<vmem>>) dst(%dma_wait3A_296 : memref<8x2x8x128xf32, #tpu.memory_space<hbm>>)
    return
  }
}

</mosaic_0001>

<sc_bundles>
// kernel: kernel.3.cloned.1.call-start
scs
__scs_entry_jumppad:
0x0: {  	(pc) =	sbr.rel $0x88, $3  }
0x1: {  	(tag) =	ssettag $0x0;
	lr =	simm.s32 $0x1  }
0x2: {  	[smem:$0x3F9F] =	sst lr;
	_ =	strace $0xD0000000  }
0x3: {  	_ = 	snop  }
0x4: {  	_ = 	snop  }
0x5: {  	_ = 	snop  }
0x6: {  	_ = 	snop  }
0x7: {  	_ = 	snop  }
__scs_overlays_trampoline_lowered:
0x8: {  	[smem:$0x3FAE] =	sst s0  }
0x9: {  	[smem:$0x3FAF] =	sst s1  }
0xa: {  	[smem:$0x3FB0] =	sst s2  }
0xb: {  	[smem:$0x3FB1] =	sst s3  }
0xc: {  	[smem:$0x3FB2] =	sst s4  }
0xd: {  	[smem:$0x3FB3] =	sst s5  }
0xe: {  	[smem:$0x3FB4] =	sst s6  }
0xf: {  	[smem:$0x3FB5] =	sst s7  }
0x10: {  	[smem:$0x3FB6] =	sst s8  }
0x11: {  	[smem:$0x3FB7] =	sst s9;
	s0 =	simm.s32 @!p0 $0x0  }
0x12: {  	s1 =	sld [smem:$0x3F9D];
	s0 =	simm.s32 @p0 $0x1  }
0x13: {  	[smem:$0x3FB8] =	sst s0;
	s0 =	simm.s32 @!p1 $0x0  }
0x14: {  	s2 =	sld [smem:$0x3F9C];
	s0 =	simm.s32 @p1 $0x1  }
0x15: {  	[smem:$0x3FB9] =	sst s0;
	s0 =	simm.s32 @!p2 $0x0  }
0x16: {  	s3 =	sld [smem:$0x3FDB];
	s0 =	simm.s32 @p2 $0x1  }
0x17: {  	s4 =	simm.s32 $0x1BF5;
	[smem:$0x3FBB] =	sst s0  }
0x18: {  	s0 =	sld [smem:$0x3F9E];
	_ =	swait.ge [sflag:s4], $0x0  }
0x19: {  	s7 =	sld [smem:$0x3F9F]  }
0x1a: {  	s8 =	sadd.s32 $0xFFFFE003, lr  }
0x1b: {  	s9 =	sadd.s32 $0xFFFFFEF7, lr;
	s5 =	simm.s32 $0xFFFFFFFF;
	p2 =	slt.u32 s8, $0xFFFFF086  }
0x1c: {  	p1 =	slt.u32 s9, $0xF7A;
	s5 =	simm.s32 @!p2 $0x0  }
0x1d: {  	s5 =	simm.s32 @p1 $0x1;
	p0 =	seq.s32 s7, s2  }
0x1e: {  	s7 =	smul.u32 @!p0 $0xF7A, s2;
	p2 =	seq.s32 @!p0 s5, $0x0  }
0x1f: {  	s9 =	smul.u32 $0xF7A, s1;
	s8 =	simm.s32 @!p0 $0x1BF5;
	p2 =	por !p2, p0  }
0x20: {  	[sflag:s8] =	ssyncset.s32 @!p0 $0xFFFFF086;
	s6 =	sadd.s32 @!p0 s3, s7;
	s7 =	simm.s32 @!p0 $0x108  }
0x21: {  	s3 =	sadd.s32 s3, s9;
	s6 =	sadd.s32 @!p0 $0x88, s6;
	s7 =	simm.s32 @p2 $0x1082  }
0x22: {  	[simem:s7], [sflag:s8] =	dma.local @!p0 [hbm:s6], $0xF7A  }
0x23: {  	s9 =	sor.u32 $0xD0000000, s2;
	s6 =	simm.s32 $0x108;
	_ =	swait.ge @!p0 [sflag:s8], $0x0  }
0x24: {  	s3 =	sadd.s32 $0x88, s3;
	s6 =	simm.s32 @!p1 $0x1082;
	[sflag:s4] =	ssyncset.s32 $0xFFFFF086  }
0x25: {  	[simem:s6], [sflag:s4] =	dma.local [hbm:s3], $0xF7A  }
0x26: {  	[smem:$0x3F9F] =	sst s1;
	(tag) =	ssettag s2;
	_ =	strace s9  }
0x27: {  	s1 =	sld [smem:$0x3FAF]  }
0x28: {  	s2 =	sld [smem:$0x3FB0]  }
0x29: {  	s4 =	sld [smem:$0x3FB2]  }
0x2a: {  	p0 =	seq.s32 s5, $0x0;
	s5 =	sld [smem:$0x3FB3]  }
0x2b: {  	s6 =	sld [smem:$0x3FB4]  }
0x2c: {  	s7 =	sld [smem:$0x3FB5]  }
0x2d: {  	s3 =	simm.s32 $0x108;
	s8 =	sld [smem:$0x3FB6]  }
0x2e: {  	s3 =	simm.s32 @!p0 $0x1082;
	s9 =	sld [smem:$0x3FB7]  }
0x2f: {  	lr =	sadd.s32 s0, s3;
	s0 =	sld [smem:$0x3FAE]  }
0x30: {  	s3 =	sld [smem:$0x3FB1]  }
0x31: {  	[smem:$0x3FBA] =	sst s10  }
0x32: {  	s10 =	sld [smem:$0x3FB8];
	_ =	sdelay $0x3  }
0x33: {  	p0 =	seq.s32 s10, $0x1;
	s10 =	sld [smem:$0x3FBA];
	_ =	sdelay $0x3  }
0x34: {  	[smem:$0x3FBA] =	sst s10  }
0x35: {  	s10 =	sld [smem:$0x3FB9];
	_ =	sdelay $0x3  }
0x36: {  	p1 =	seq.s32 s10, $0x1;
	s10 =	sld [smem:$0x3FBA];
	_ =	sdelay $0x3  }
0x37: {  	[smem:$0x3FBA] =	sst s10  }
0x38: {  	s10 =	sld [smem:$0x3FBB]  }
0x39: {  	_ = 	snop;
	(pc) =	sbr.ind lr, $3  }
0x3a: {  	_ = 	snop  }
0x3b: {  	_ = 	snop  }
0x3c: {  	p2 =	seq.s32 s10, $0x1;
	s10 =	sld [smem:$0x3FBA]  }
0x3d: {  	_ =	shalt  }
0x3e: {  	_ =	shalt  }
0x3f: {  	_ =	shalt  }
0x40: {  	_ =	shalt  }
0x41: {  	_ =	shalt  }
0x42: {  	_ =	shalt  }
0x43: {  	_ =	shalt  }
0x44: {  	_ =	shalt  }
0x45: {  	_ =	shalt  }
0x46: {  	_ =	shalt  }
0x47: {  	_ =	shalt  }
0x48: {  	_ =	shalt  }
0x49: {  	_ =	shalt  }
0x4a: {  	_ =	shalt  }
0x4b: {  	_ =	shalt  }
0x4c: {  	_ =	shalt  }
0x4d: {  	_ =	shalt  }
0x4e: {  	_ =	shalt  }
0x4f: {  	_ =	shalt  }
0x50: {  	_ =	shalt  }
0x51: {  	_ =	shalt  }
0x52: {  	_ =	shalt  }
0x53: {  	_ =	shalt  }
0x54: {  	_ =	shalt  }
0x55: {  	_ =	shalt  }
0x56: {  	_ =	shalt  }
0x57: {  	_ =	shalt  }
0x58: {  	_ =	shalt  }
0x59: {  	_ =	shalt  }
0x5a: {  	_ =	shalt  }
0x5b: {  	_ =	shalt  }
0x5c: {  	_ =	shalt  }
0x5d: {  	_ =	shalt  }
0x5e: {  	_ =	shalt  }
0x5f: {  	_ =	shalt  }
0x60: {  	_ =	shalt  }
0x61: {  	_ =	shalt  }
0x62: {  	_ =	shalt  }
0x63: {  	_ =	shalt  }
0x64: {  	_ =	shalt  }
0x65: {  	_ =	shalt  }
0x66: {  	_ =	shalt  }
0x67: {  	_ =	shalt  }
0x68: {  	_ =	shalt  }
0x69: {  	_ =	shalt  }
0x6a: {  	_ =	shalt  }
0x6b: {  	_ =	shalt  }
0x6c: {  	_ =	shalt  }
0x6d: {  	_ =	shalt  }
0x6e: {  	_ =	shalt  }
0x6f: {  	_ =	shalt  }
0x70: {  	_ =	shalt  }
0x71: {  	_ =	shalt  }
0x72: {  	_ =	shalt  }
0x73: {  	_ =	shalt  }
0x74: {  	_ =	shalt  }
0x75: {  	_ =	shalt  }
0x76: {  	_ =	shalt  }
0x77: {  	_ =	shalt  }
0x78: {  	_ =	shalt  }
0x79: {  	_ =	shalt  }
0x7a: {  	_ =	shalt  }
0x7b: {  	_ =	shalt  }
0x7c: {  	_ =	shalt  }
0x7d: {  	_ =	shalt  }
0x7e: {  	_ =	shalt  }
0x7f: {  	_ =	shalt  }
0x80: {  	_ =	shalt  }
0x81: {  	_ =	shalt  }
0x82: {  	_ =	shalt  }
0x83: {  	_ =	shalt  }
0x84: {  	_ =	shalt  }
0x85: {  	_ =	shalt  }
0x86: {  	_ =	shalt  }
0x87: {  	_ =	shalt  }
.Lfunc_end0:
.L_simem_size_0:
called_computation_lowered:
.L_overlay_start_0:
0x88: {  	s2 =	sld [smem:$0x3FD9]  }
0x89: {  	s3 =	sld [smem:$0x3FFE];
	_ =	sdelay $0x1  }
0x8a: {  	s1 =	srdreg.scid  }
0x8b: {  	s0 =	sand.u32 $0x1, s1  }
0x8c: {  	s17 =	sshll.u32 s0, $0xA;
	s2 =	sadd.s32 s3, s2  }
0x8d: {  	s2 =	sadd.s32 s2, s17  }
0x8e: {  	[smem:$0x3FC6] =	sst s2  }
0x8f: {  	_ = 	snop  }
0x90: {  	s2 =	sld [smem:$0x3FD0];
	(tm) =	ssettm $0x1  }
0x91: {  	s18 =	sld [smem:$0x3FFB];
	_ =	sdelay $0x3  }
0x92: {  	_ =	strace s18  }
0x93: {  	s3 =	sld [smem:$0x3FFC];
	_ =	sdelay $0x3  }
0x94: {  	_ =	strace s3  }
0x95: {  	s3 =	sld [smem:$0x3FFD];
	_ =	sdelay $0x3  }
0x96: {  	_ =	strace s3  }
0x97: {  	_ =	strace $0x8FFFFFFF  }
0x98: {  	s19 =	sld [smem:$0x3FDB];
	_ =	sdelay $0x1  }
0x99: {  	s4 =	simm.s32 $_scs_section_size  }
0x9a: {  	s5 =	simm.s32 $_size__tile_overlayer_lowered;
	s6 =	simm.s32 $_tile_overlayer_lowered  }
0x9b: {  	s22 =	simm.s32 $0x1BFF;
	s21 =	sshll.u32 s6, $0x1;
	s3 =	sadd.s32 s4, s19  }
0x9c: {  	s7 =	simm.s32 $0x0;
	s20 =	sshll.u32 s5, $0x1;
	s5 =	sadd.s32 s21, s3  }
0x9d: {  	[timem:s7], [sflag:s22] =	dma.local [hbm:s5], s20  }
0x9e: {  	_ =	swait.ge [sflag:s22], s20  }
0x9f: {  	s4 =	ssub.s32 $0x0, s20;
	[sflag:s22] =	ssyncset.done $0x0  }
0xa0: {  	[sflag:s22] =	ssyncadd.s32 s4;
	_ =	sdelay $0x1  }
0xa1: {  	s23 =	simm.s32 $0x1B8B  }
0xa2: {  	_ =	swait.ge [sflag:s23], $0x1  }
0xa3: {  	[sflag:s23] =	ssyncset.done $0x0  }
0xa4: {  	s25 =	simm.s32 $0x1B8E;
	s24 =	sld [smem:$0x3FFE];
	[sflag:s23] =	ssyncadd.s32 $0xFFFFFFFF  }
0xa5: {  	s26 =	simm.s32 $execute0_lowered;
	[smem:$0x3FD2] =	sst s25  }
0xa6: {  	s5 =	sshll.u32 s26, $0x1;
	_ =	strace $0x80000046;
	[dreg:$0x1] =	wrdreg $0xFFFFFFFF  }
0xa7: {  	s28 =	simm.s32 $_size_execute0_lowered;
	s3 =	sadd.s32 s3, s5;
	[dreg:$0x0] =	wrdreg $0x0  }
0xa8: {  	s5 =	sshll.u32 s28, $0x1;
	[dreg:$0x2] =	wrdreg s3  }
0xa9: {  	[dreg:$0x3] =	wrdreg s5  }
0xaa: {  	[dreg:$0x4] =	wrdreg $0xC0  }
0xab: {  	_ =	task [dreg:s7], $0x5FFFF  }
0xac: {  	[dreg:$0x1] =	wrdreg $0xFFFFFFFF  }
0xad: {  	[dreg:$0x0] =	wrdreg $0x60  }
0xae: {  	[dreg:$0x2] =	wrdreg s24  }
0xaf: {  	[dreg:$0x3] =	wrdreg s2  }
0xb0: {  	[dreg:$0x4] =	wrdreg $0x9  }
0xb1: {  	_ =	task.clear_ibuf [dreg:s7], $0x5FFFF;
	_ =	strace $0x90000046  }
0xb2: {  	s29 =	simm.s32 $0x9;
	_ =	strace $0x80000048  }
0xb3: {  	_ =	swait.ge [sflag:s29], $0x1  }
0xb4: {  	[sflag:s29] =	ssyncadd.s32 $0xFFFFFFFF  }
0xb5: {  	_ =	strace $0x90000048  }
0xb6: {  	_ =	sfence  }
0xb7: {  	s30 =	sld [smem:$0x0];
	_ =	sdelay $0x2  }
0xb8: {  	s31 =	sshll.u32 s1, $0xD;
	s1 =	sshrl.u32 s1, $0x2  }
0xb9: {  	s3 =	sand.u32 $0x4000, s31;
	s1 =	sadd.s32 s1, s30  }
0xba: {  	s0 =	sor.u32 s3, s0;
	s1 =	sshll.u32 s1, $0x11  }
0xbb: {  	s0 =	sor.u32 s1, s0  }
0xbc: {  	s0 =	sadd.s32 $0x8F2B, s0  }
0xbd: {  	[sflag:s0] =	ssyncadd.remote.s32 $0x1  }
0xbe: {  	_ =	sfence.sel $0xFFFF  }
0xbf: {  	[dreg:$0x0] =	wrdreg $0xFFFFFFFF;
	(pc) =	sbr.abs _section_cstart, $3  }
0xc0: {  	[dreg:$0x1] =	wrdreg $0xFFFFFFFF  }
0xc1: {  	_ =	task.clear_ibuf [dreg:s7], $0x2FFFF;
	_ =	strace $0x9FFFFFFF  }
0xc2: {  	(tm) =	ssettm $0x7FFFFFFF  }
0xc3: {  	_ =	shalt  }
tec
execute0_lowered:
.L_overlay_start_1:
0x0: {  	(tag) =	ssettag $0x1  }
0x1: {  	s4 =	rddreg [dreg:$0x0]  }
0x2: {  	s2 =	rddreg [dreg:$0x1]  }
0x3: {  	s0 =	rddreg [dreg:$0x2];
	s5 =	srdreg.scid  }
0x4: {  	s1 =	stileid.u32;
	s3 =	simm.s32 $0x0;
	s9 =	simm.s32 $0x4000  }
0x5: {  	s10 =	simm.s32 $0x1;
	s11 =	simm.s32 $0x100;
	s12 =	simm.s32 $0xC800  }
0x6: {  	s13 =	simm.s32 $0x10800;
	s14 =	simm.s32 $0x2;
	s15 =	simm.s32 $0x3  }
0x7: {  	s16 =	simm.s32 $0x5;
	s5 =	sand.u32 $0x1, s5;
	s6 =	sshll.u32 s1, $0x1  }
0x8: {  	s17 =	simm.s32 $0x4;
	s18 =	simm.s32 $0x0;
	s6 =	sor.u32 s5, s6  }
0x9: {  	[smem:$0x7FF] =	sst s3;
	s5 =	ssub.s32 $0x2, s5;
	s7 =	sshll.u32 s6, $0x6  }
0xa: {  	_ =	strace $0x80000047;
	s8 =	sshrl.u32 s5, $0x1;
	s7 =	sadd.s32 s7, s4  }
0xb: {  	s4 =	sadd.s32 $0x32400, s4;
	s8 =	ssub.s32 s5, s8;
	s5 =	sshll.u32 s6, $0xC  }
0xc: {  	s6 =	sadd.s32 $0x400, s7;
	s7 =	smax.u32 s8, $0x1;
	s8 =	simm.s32 $0x200  }
.LBB2_1:
0xd: {  	[tilespmem:s3], [sflag:$0x1] =	stream.strided.gather [hbm4b:s6+s8], $0xC800, s9, s8, $0x38;
	[tilespmem:$0x1D000] =	vst v63  }
0xe: {  	_ =	swait.ge [sflag:s10], $0xC800  }
0xf: {  	[sflag:s10] =	ssyncset.done $0x0  }
0x10: {  	[sflag:s10] =	ssyncadd.s32 $0xFFFF3800  }
0x11: {  	[tilespmem:s12], [sflag:$0x2] =	stream.indirect.gather [hbm4b:s4+s11], $0x40, s3, s11, $0xb8;
	[tilespmem:$0x1D000] =	vst v63  }
0x12: {  	s19 =	simm.s32 $0x0  }
0x13: {  	[tilespmem:s13], [sflag:$0x3] =	stream.indirect.gather [hbm4b:s4+s11], $0x40, s11, s11, $0xb8;
	[tilespmem:$0x1D000] =	vst v63  }
.LBB2_2:
0x14: {  	_ =	swait.ge [sflag:s14], $0x4000  }
0x15: {  	p0 =	seq.s32 s19, $0x0;
	[sflag:s14] =	ssyncset.done $0x0  }
0x16: {  	s21 =	sshll.u32 s19, $0x14;
	s20 =	simm.s32 @!p0 $0x4;
	[sflag:s14] =	ssyncadd.s32 $0xFFFFC000  }
0x17: {  	s21 =	sor.u32 s5, s21;
	_ =	swait.ge @!p0 [sflag:s20], $0x4000  }
0x18: {  	s21 =	sshrl.u32 s21, $0x3;
	[sflag:s20] =	ssyncset.done @!p0 $0x0  }
0x19: {  	s28 =	simm.s32 $0x14800;
	s22 =	sadd.s32 s2, s21;
	[sflag:s20] =	ssyncadd.s32 @!p0 $0xFFFFC000  }
0x1a: {  	[hbm4b:s22+s3] =	stream.linear.scatter [tilespmem:s28], [sflag:$0x4], $0x80, $0x38;
	[tilespmem:$0x1D000] =	vst v63  }
0x1b: {  	s29 =	simm.s32 $0x14888;
	s23 =	sadd.s32 $0x10, s22  }
0x1c: {  	[hbm4b:s23+s3] =	stream.linear.scatter [tilespmem:s29], [sflag:$0x4], $0x80, $0x38;
	[tilespmem:$0x1D000] =	vst v63  }
0x1d: {  	s30 =	simm.s32 $0x14910;
	s31 =	sadd.s32 $0x20, s22  }
0x1e: {  	[hbm4b:s31+s3] =	stream.linear.scatter [tilespmem:s30], [sflag:$0x4], $0x80, $0x38;
	[tilespmem:$0x1D000] =	vst v63  }
0x1f: {  	s24 =	sadd.s32 $0x30, s22;
	s23 =	simm.s32 $0x14998  }
0x20: {  	[hbm4b:s24+s3] =	stream.linear.scatter [tilespmem:s23], [sflag:$0x4], $0x80, $0x38;
	[tilespmem:$0x1D000] =	vst v63  }
0x21: {  	s25 =	simm.s32 $0x14A20;
	s26 =	sadd.s32 $0x40, s22  }
0x22: {  	[hbm4b:s26+s3] =	stream.linear.scatter [tilespmem:s25], [sflag:$0x4], $0x80, $0x38;
	[tilespmem:$0x1D000] =	vst v63  }
0x23: {  	s28 =	simm.s32 $0x14AA8;
	s29 =	sadd.s32 $0x50, s22  }
0x24: {  	[hbm4b:s29+s3] =	stream.linear.scatter [tilespmem:s28], [sflag:$0x4], $0x80, $0x38;
	[tilespmem:$0x1D000] =	vst v63  }
0x25: {  	s30 =	simm.s32 $0x14B30;
	s31 =	sadd.s32 $0x60, s22  }
0x26: {  	[hbm4b:s31+s3] =	stream.linear.scatter [tilespmem:s30], [sflag:$0x4], $0x80, $0x38;
	[tilespmem:$0x1D000] =	vst v63  }
0x27: {  	s23 =	simm.s32 $0x14BB8;
	s24 =	sadd.s32 $0x70, s22  }
0x28: {  	[hbm4b:s24+s3] =	stream.linear.scatter [tilespmem:s23], [sflag:$0x4], $0x80, $0x38;
	[tilespmem:$0x1D000] =	vst v63  }
0x29: {  	s25 =	simm.s32 $0x14C40;
	s26 =	sadd.s32 $0x80, s22  }
0x2a: {  	[hbm4b:s26+s3] =	stream.linear.scatter [tilespmem:s25], [sflag:$0x4], $0x80, $0x38;
	[tilespmem:$0x1D000] =	vst v63  }
0x2b: {  	s28 =	simm.s32 $0x14CC8;
	s29 =	sadd.s32 $0x90, s22  }
0x2c: {  	[hbm4b:s29+s3] =	stream.linear.scatter [tilespmem:s28], [sflag:$0x4], $0x80, $0x38;
	[tilespmem:$0x1D000] =	vst v63  }
0x2d: {  	s20 =	simm.s32 $0x880;
	s30 =	simm.s32 $0x14D50;
	s31 =	sadd.s32 $0xA0, s22  }
0x2e: {  	[hbm4b:s31+s3] =	stream.linear.scatter [tilespmem:s30], [sflag:$0x4], $0x80, $0x38;
	[tilespmem:$0x1D000] =	vst v63  }
0x2f: {  	s23 =	simm.s32 $0x14DD8;
	s24 =	sadd.s32 $0xB0, s22;
	s25 =	simm.s32 $0x14E60  }
0x30: {  	[hbm4b:s24+s3] =	stream.linear.scatter [tilespmem:s23], [sflag:$0x4], $0x80, $0x38;
	[tilespmem:$0x1D000] =	vst v63  }
0x31: {  	s26 =	sadd.s32 $0xC0, s22;
	s28 =	simm.s32 $0x14EE8;
	s29 =	sadd.s32 $0xD0, s22  }
0x32: {  	[hbm4b:s26+s3] =	stream.linear.scatter [tilespmem:s25], [sflag:$0x4], $0x80, $0x38;
	[tilespmem:$0x1D000] =	vst v63  }
0x33: {  	s30 =	simm.s32 $0x14F70;
	s31 =	sadd.s32 $0xE0, s22;
	s23 =	simm.s32 $0x14FF8  }
0x34: {  	[hbm4b:s29+s3] =	stream.linear.scatter [tilespmem:s28], [sflag:$0x4], $0x80, $0x38;
	[tilespmem:$0x1D000] =	vst v63  }
0x35: {  	s25 =	simm.s32 $0x4400;
	s26 =	sadd.s32 $0xF0, s22;
	s22 =	sadd.s32 $0x4000, s22  }
0x36: {  	[hbm4b:s31+s3] =	stream.linear.scatter [tilespmem:s30], [sflag:$0x4], $0x80, $0x38;
	[tilespmem:$0x1D000] =	vst v63  }
.LBB2_3:
0x37: {  	[hbm4b:s26+s3] =	stream.linear.scatter [tilespmem:s23], [sflag:$0x4], $0x80, $0x38;
	[tilespmem:$0x1D000] =	vst v63  }
0x38: {  	s23 =	smov.u32 s20;
	s20 =	smov.u32 s25  }
0x39: {  	s24 =	sadd.s32 $0x2200, s25;
	s20 =	sshra.s32 s20, $0x2;
	s26 =	sadd.s32 $0x14800, s23  }
0x3a: {  	[hbm4b:s22+s3] =	stream.linear.scatter [tilespmem:s26], [sflag:$0x4], $0x80, $0x38;
	[tilespmem:$0x1D000] =	vst v63  }
0x3b: {  	p1 =	sne.s32 s25, $0xEE00;
	s25 =	sadd.s32 $0x14888, s23;
	s26 =	sadd.s32 $0x10, s22  }
0x3c: {  	[hbm4b:s26+s3] =	stream.linear.scatter [tilespmem:s25], [sflag:$0x4], $0x80, $0x38;
	[tilespmem:$0x1D000] =	vst v63  }
0x3d: {  	s25 =	sadd.s32 $0x14910, s23;
	s26 =	sadd.s32 $0x20, s22  }
0x3e: {  	[hbm4b:s26+s3] =	stream.linear.scatter [tilespmem:s25], [sflag:$0x4], $0x80, $0x38;
	[tilespmem:$0x1D000] =	vst v63  }
0x3f: {  	s25 =	sadd.s32 $0x14998, s23;
	s26 =	sadd.s32 $0x30, s22  }
0x40: {  	[hbm4b:s26+s3] =	stream.linear.scatter [tilespmem:s25], [sflag:$0x4], $0x80, $0x38;
	[tilespmem:$0x1D000] =	vst v63  }
0x41: {  	s25 =	sadd.s32 $0x14A20, s23;
	s26 =	sadd.s32 $0x40, s22  }
0x42: {  	[hbm4b:s26+s3] =	stream.linear.scatter [tilespmem:s25], [sflag:$0x4], $0x80, $0x38;
	[tilespmem:$0x1D000] =	vst v63  }
0x43: {  	s25 =	sadd.s32 $0x14AA8, s23;
	s26 =	sadd.s32 $0x50, s22  }
0x44: {  	[hbm4b:s26+s3] =	stream.linear.scatter [tilespmem:s25], [sflag:$0x4], $0x80, $0x38;
	[tilespmem:$0x1D000] =	vst v63  }
0x45: {  	s25 =	sadd.s32 $0x14B30, s23;
	s26 =	sadd.s32 $0x60, s22  }
0x46: {  	[hbm4b:s26+s3] =	stream.linear.scatter [tilespmem:s25], [sflag:$0x4], $0x80, $0x38;
	[tilespmem:$0x1D000] =	vst v63  }
0x47: {  	s25 =	sadd.s32 $0x14BB8, s23;
	s26 =	sadd.s32 $0x70, s22  }
0x48: {  	[hbm4b:s26+s3] =	stream.linear.scatter [tilespmem:s25], [sflag:$0x4], $0x80, $0x38;
	[tilespmem:$0x1D000] =	vst v63  }
0x49: {  	s25 =	sadd.s32 $0x14C40, s23;
	s26 =	sadd.s32 $0x80, s22  }
0x4a: {  	[hbm4b:s26+s3] =	stream.linear.scatter [tilespmem:s25], [sflag:$0x4], $0x80, $0x38;
	[tilespmem:$0x1D000] =	vst v63  }
0x4b: {  	s25 =	sadd.s32 $0x14CC8, s23;
	s26 =	sadd.s32 $0x90, s22  }
0x4c: {  	[hbm4b:s26+s3] =	stream.linear.scatter [tilespmem:s25], [sflag:$0x4], $0x80, $0x38;
	[tilespmem:$0x1D000] =	vst v63  }
0x4d: {  	s25 =	sadd.s32 $0x14D50, s23;
	s26 =	sadd.s32 $0xA0, s22  }
0x4e: {  	[hbm4b:s26+s3] =	stream.linear.scatter [tilespmem:s25], [sflag:$0x4], $0x80, $0x38;
	[tilespmem:$0x1D000] =	vst v63  }
0x4f: {  	s25 =	sadd.s32 $0x14DD8, s23;
	s26 =	sadd.s32 $0xB0, s22  }
0x50: {  	[hbm4b:s26+s3] =	stream.linear.scatter [tilespmem:s25], [sflag:$0x4], $0x80, $0x38;
	[tilespmem:$0x1D000] =	vst v63  }
0x51: {  	s25 =	sadd.s32 $0x14E60, s23;
	s26 =	sadd.s32 $0xC0, s22  }
0x52: {  	[hbm4b:s26+s3] =	stream.linear.scatter [tilespmem:s25], [sflag:$0x4], $0x80, $0x38;
	[tilespmem:$0x1D000] =	vst v63  }
.Ltmp0:
0x53: {  	s25 =	sadd.s32 $0x14EE8, s23;
	s26 =	sadd.s32 $0xD0, s22;
	(pc) =	sbr.rel @p1 .LBB2_3-.Ltmp0, $4  }
0x54: {  	[hbm4b:s26+s3] =	stream.linear.scatter [tilespmem:s25], [sflag:$0x4], $0x80, $0x38;
	[tilespmem:$0x1D000] =	vst v63  }
0x55: {  	s25 =	sadd.s32 $0x14F70, s23;
	s26 =	sadd.s32 $0xE0, s22;
	s23 =	sadd.s32 $0x14FF8, s23  }
0x56: {  	[hbm4b:s26+s3] =	stream.linear.scatter [tilespmem:s25], [sflag:$0x4], $0x80, $0x38;
	[tilespmem:$0x1D000] =	vst v63  }
0x57: {  	s26 =	sadd.s32 $0xF0, s22;
	s22 =	sadd.s32 $0x4000, s22;
	s25 =	smov.u32 s24  }
0x58: {  	[hbm4b:s26+s3] =	stream.linear.scatter [tilespmem:s23], [sflag:$0x4], $0x80, $0x38;
	[tilespmem:$0x1D000] =	vst v63  }
0x59: {  	s25 =	sadd.s32 $0x14800, s20  }
0x5a: {  	[hbm4b:s22+s3] =	stream.linear.scatter [tilespmem:s25], [sflag:$0x4], $0x80, $0x38;
	[tilespmem:$0x1D000] =	vst v63  }
0x5b: {  	s26 =	sadd.s32 $0x14888, s20;
	s24 =	sadd.s32 $0x10, s22  }
0x5c: {  	[hbm4b:s24+s3] =	stream.linear.scatter [tilespmem:s26], [sflag:$0x4], $0x80, $0x38;
	[tilespmem:$0x1D000] =	vst v63  }
0x5d: {  	s28 =	sadd.s32 $0x14910, s20;
	s29 =	sadd.s32 $0x20, s22  }
0x5e: {  	[hbm4b:s29+s3] =	stream.linear.scatter [tilespmem:s28], [sflag:$0x4], $0x80, $0x38;
	[tilespmem:$0x1D000] =	vst v63  }
0x5f: {  	s30 =	sadd.s32 $0x14998, s20;
	s31 =	sadd.s32 $0x30, s22  }
0x60: {  	[hbm4b:s31+s3] =	stream.linear.scatter [tilespmem:s30], [sflag:$0x4], $0x80, $0x38;
	[tilespmem:$0x1D000] =	vst v63  }
0x61: {  	s25 =	sadd.s32 $0x14A20, s20;
	s26 =	sadd.s32 $0x40, s22  }
0x62: {  	[hbm4b:s26+s3] =	stream.linear.scatter [tilespmem:s25], [sflag:$0x4], $0x80, $0x38;
	[tilespmem:$0x1D000] =	vst v63  }
0x63: {  	s28 =	sadd.s32 $0x14AA8, s20;
	s29 =	sadd.s32 $0x50, s22  }
0x64: {  	[hbm4b:s29+s3] =	stream.linear.scatter [tilespmem:s28], [sflag:$0x4], $0x80, $0x38;
	[tilespmem:$0x1D000] =	vst v63  }
0x65: {  	s30 =	sadd.s32 $0x14B30, s20;
	s31 =	sadd.s32 $0x60, s22  }
0x66: {  	[hbm4b:s31+s3] =	stream.linear.scatter [tilespmem:s30], [sflag:$0x4], $0x80, $0x38;
	[tilespmem:$0x1D000] =	vst v63  }
0x67: {  	s25 =	sadd.s32 $0x14BB8, s20;
	s26 =	sadd.s32 $0x70, s22  }
0x68: {  	[hbm4b:s26+s3] =	stream.linear.scatter [tilespmem:s25], [sflag:$0x4], $0x80, $0x38;
	[tilespmem:$0x1D000] =	vst v63  }
0x69: {  	s28 =	sadd.s32 $0x14C40, s20;
	s29 =	sadd.s32 $0x80, s22  }
0x6a: {  	[hbm4b:s29+s3] =	stream.linear.scatter [tilespmem:s28], [sflag:$0x4], $0x80, $0x38;
	[tilespmem:$0x1D000] =	vst v63  }
0x6b: {  	s30 =	sadd.s32 $0x14CC8, s20;
	s31 =	sadd.s32 $0x90, s22  }
0x6c: {  	[hbm4b:s31+s3] =	stream.linear.scatter [tilespmem:s30], [sflag:$0x4], $0x80, $0x38;
	[tilespmem:$0x1D000] =	vst v63  }
0x6d: {  	s25 =	sadd.s32 $0x14D50, s20;
	s26 =	sadd.s32 $0xA0, s22  }
0x6e: {  	[hbm4b:s26+s3] =	stream.linear.scatter [tilespmem:s25], [sflag:$0x4], $0x80, $0x38;
	[tilespmem:$0x1D000] =	vst v63  }
0x6f: {  	s28 =	sadd.s32 $0x14DD8, s20;
	s29 =	sadd.s32 $0xB0, s22  }
0x70: {  	[hbm4b:s29+s3] =	stream.linear.scatter [tilespmem:s28], [sflag:$0x4], $0x80, $0x38;
	[tilespmem:$0x1D000] =	vst v63  }
0x71: {  	s30 =	sadd.s32 $0x14E60, s20;
	s31 =	sadd.s32 $0xC0, s22  }
0x72: {  	[hbm4b:s31+s3] =	stream.linear.scatter [tilespmem:s30], [sflag:$0x4], $0x80, $0x38;
	[tilespmem:$0x1D000] =	vst v63  }
0x73: {  	p1 =	sne.s32 s19, $0x63;
	s25 =	sadd.s32 $0x14EE8, s20;
	s26 =	sadd.s32 $0xD0, s22  }
0x74: {  	[hbm4b:s26+s3] =	stream.linear.scatter [tilespmem:s25], [sflag:$0x4], $0x80, $0x38;
	[tilespmem:$0x1D000] =	vst v63  }
.Ltmp1:
0x75: {  	_ = 	snop;
	(pc) =	sbr.rel @p1 .LBB2_6-.Ltmp1, $4  }
0x76: {  	s28 =	sadd.s32 $0x14F70, s20;
	s29 =	sadd.s32 $0xE0, s22  }
0x77: {  	[hbm4b:s29+s3] =	stream.linear.scatter [tilespmem:s28], [sflag:$0x4], $0x80, $0x38;
	[tilespmem:$0x1D000] =	vst v63  }
0x78: {  	s30 =	sadd.s32 $0x14FF8, s20;
	s31 =	sadd.s32 $0xF0, s22;
	s20 =	sadd.s32 $0x1, s19  }
0x79: {  	[hbm4b:s31+s3] =	stream.linear.scatter [tilespmem:s30], [sflag:$0x4], $0x80, $0x38;
	[tilespmem:$0x1D000] =	vst v63  }
.Ltmp2:
0x7a: {  	(pc) =	sbr.rel .LBB2_7-.Ltmp2, $4  }
0x7b: {  	_ = 	snop  }
0x7c: {  	_ =	swait.ge [sflag:s15], $0x4000  }
0x7d: {  	[sflag:s15] =	ssyncset.done $0x0  }
0x7e: {  	[sflag:s15] =	ssyncadd.s32 $0xFFFFC000  }
.LBB2_6:
0x7f: {  	s22 =	sshll.u32 s20, $0x9  }
.Ltmp3:
0x80: {  	s22 =	sand.u32 $0x3FFFFE00, s22;
	(pc) =	sbr.rel @p0 .LBB2_8-.Ltmp3, $4  }
0x81: {  	[tilespmem:s12], [sflag:$0x2] =	stream.indirect.gather [hbm4b:s4+s11], $0x40, s22, s11, $0xb8;
	[tilespmem:$0x1D000] =	vst v63  }
0x82: {  	_ =	swait.ge [sflag:s15], $0x4000  }
0x83: {  	[sflag:s15] =	ssyncset.done $0x0  }
0x84: {  	[sflag:s15] =	ssyncadd.s32 $0xFFFFC000  }
.LBB2_7:
0x85: {  	_ =	swait.ge [sflag:s16], $0x4000  }
0x86: {  	[sflag:s16] =	ssyncset.done $0x0  }
0x87: {  	[sflag:s16] =	ssyncadd.s32 $0xFFFFC000  }
.LBB2_8:
0x88: {  	s21 =	sadd.s32 s21, s2  }
0x89: {  	s28 =	simm.s32 $0x18C00;
	s22 =	sadd.s32 $0x100, s21  }
0x8a: {  	[hbm4b:s22+s3] =	stream.linear.scatter [tilespmem:s28], [sflag:$0x5], $0x80, $0x38;
	[tilespmem:$0x1D000] =	vst v63  }
0x8b: {  	s29 =	simm.s32 $0x18C88;
	s23 =	sadd.s32 $0x10, s22  }
0x8c: {  	[hbm4b:s23+s3] =	stream.linear.scatter [tilespmem:s29], [sflag:$0x5], $0x80, $0x38;
	[tilespmem:$0x1D000] =	vst v63  }
0x8d: {  	s30 =	simm.s32 $0x18D10;
	s31 =	sadd.s32 $0x20, s22  }
0x8e: {  	[hbm4b:s31+s3] =	stream.linear.scatter [tilespmem:s30], [sflag:$0x5], $0x80, $0x38;
	[tilespmem:$0x1D000] =	vst v63  }
0x8f: {  	s24 =	sadd.s32 $0x30, s22;
	s23 =	simm.s32 $0x18D98  }
0x90: {  	[hbm4b:s24+s3] =	stream.linear.scatter [tilespmem:s23], [sflag:$0x5], $0x80, $0x38;
	[tilespmem:$0x1D000] =	vst v63  }
0x91: {  	s25 =	simm.s32 $0x18E20;
	s26 =	sadd.s32 $0x40, s22  }
0x92: {  	[hbm4b:s26+s3] =	stream.linear.scatter [tilespmem:s25], [sflag:$0x5], $0x80, $0x38;
	[tilespmem:$0x1D000] =	vst v63  }
0x93: {  	s28 =	simm.s32 $0x18EA8;
	s29 =	sadd.s32 $0x50, s22  }
0x94: {  	[hbm4b:s29+s3] =	stream.linear.scatter [tilespmem:s28], [sflag:$0x5], $0x80, $0x38;
	[tilespmem:$0x1D000] =	vst v63  }
0x95: {  	s30 =	simm.s32 $0x18F30;
	s31 =	sadd.s32 $0x60, s22  }
0x96: {  	[hbm4b:s31+s3] =	stream.linear.scatter [tilespmem:s30], [sflag:$0x5], $0x80, $0x38;
	[tilespmem:$0x1D000] =	vst v63  }
0x97: {  	s23 =	simm.s32 $0x18FB8;
	s24 =	sadd.s32 $0x70, s22  }
0x98: {  	[hbm4b:s24+s3] =	stream.linear.scatter [tilespmem:s23], [sflag:$0x5], $0x80, $0x38;
	[tilespmem:$0x1D000] =	vst v63  }
0x99: {  	s25 =	simm.s32 $0x19040;
	s26 =	sadd.s32 $0x80, s22  }
0x9a: {  	[hbm4b:s26+s3] =	stream.linear.scatter [tilespmem:s25], [sflag:$0x5], $0x80, $0x38;
	[tilespmem:$0x1D000] =	vst v63  }
0x9b: {  	s28 =	simm.s32 $0x190C8;
	s29 =	sadd.s32 $0x90, s22  }
0x9c: {  	[hbm4b:s29+s3] =	stream.linear.scatter [tilespmem:s28], [sflag:$0x5], $0x80, $0x38;
	[tilespmem:$0x1D000] =	vst v63  }
0x9d: {  	s21 =	simm.s32 $0x880;
	s30 =	simm.s32 $0x19150;
	s31 =	sadd.s32 $0xA0, s22  }
0x9e: {  	[hbm4b:s31+s3] =	stream.linear.scatter [tilespmem:s30], [sflag:$0x5], $0x80, $0x38;
	[tilespmem:$0x1D000] =	vst v63  }
0x9f: {  	s23 =	simm.s32 $0x191D8;
	s24 =	sadd.s32 $0xB0, s22;
	s25 =	simm.s32 $0x19260  }
0xa0: {  	[hbm4b:s24+s3] =	stream.linear.scatter [tilespmem:s23], [sflag:$0x5], $0x80, $0x38;
	[tilespmem:$0x1D000] =	vst v63  }
0xa1: {  	s26 =	sadd.s32 $0xC0, s22;
	s28 =	simm.s32 $0x192E8;
	s29 =	sadd.s32 $0xD0, s22  }
0xa2: {  	[hbm4b:s26+s3] =	stream.linear.scatter [tilespmem:s25], [sflag:$0x5], $0x80, $0x38;
	[tilespmem:$0x1D000] =	vst v63  }
0xa3: {  	s30 =	simm.s32 $0x19370;
	s31 =	sadd.s32 $0xE0, s22;
	s23 =	simm.s32 $0x193F8  }
0xa4: {  	[hbm4b:s29+s3] =	stream.linear.scatter [tilespmem:s28], [sflag:$0x5], $0x80, $0x38;
	[tilespmem:$0x1D000] =	vst v63  }
0xa5: {  	s25 =	simm.s32 $0x4400;
	s26 =	sadd.s32 $0xF0, s22;
	s22 =	sadd.s32 $0x4000, s22  }
0xa6: {  	[hbm4b:s31+s3] =	stream.linear.scatter [tilespmem:s30], [sflag:$0x5], $0x80, $0x38;
	[tilespmem:$0x1D000] =	vst v63  }
.LBB2_9:
0xa7: {  	[hbm4b:s26+s3] =	stream.linear.scatter [tilespmem:s23], [sflag:$0x5], $0x80, $0x38;
	[tilespmem:$0x1D000] =	vst v63  }
0xa8: {  	s23 =	smov.u32 s21;
	s21 =	smov.u32 s25  }
0xa9: {  	s24 =	sadd.s32 $0x2200, s25;
	s21 =	sshra.s32 s21, $0x2;
	s26 =	sadd.s32 $0x18C00, s23  }
0xaa: {  	[hbm4b:s22+s3] =	stream.linear.scatter [tilespmem:s26], [sflag:$0x5], $0x80, $0x38;
	[tilespmem:$0x1D000] =	vst v63  }
0xab: {  	p0 =	sne.s32 s25, $0xEE00;
	s25 =	sadd.s32 $0x18C88, s23;
	s26 =	sadd.s32 $0x10, s22  }
0xac: {  	[hbm4b:s26+s3] =	stream.linear.scatter [tilespmem:s25], [sflag:$0x5], $0x80, $0x38;
	[tilespmem:$0x1D000] =	vst v63  }
0xad: {  	s25 =	sadd.s32 $0x18D10, s23;
	s26 =	sadd.s32 $0x20, s22  }
0xae: {  	[hbm4b:s26+s3] =	stream.linear.scatter [tilespmem:s25], [sflag:$0x5], $0x80, $0x38;
	[tilespmem:$0x1D000] =	vst v63  }
0xaf: {  	s25 =	sadd.s32 $0x18D98, s23;
	s26 =	sadd.s32 $0x30, s22  }
0xb0: {  	[hbm4b:s26+s3] =	stream.linear.scatter [tilespmem:s25], [sflag:$0x5], $0x80, $0x38;
	[tilespmem:$0x1D000] =	vst v63  }
0xb1: {  	s25 =	sadd.s32 $0x18E20, s23;
	s26 =	sadd.s32 $0x40, s22  }
0xb2: {  	[hbm4b:s26+s3] =	stream.linear.scatter [tilespmem:s25], [sflag:$0x5], $0x80, $0x38;
	[tilespmem:$0x1D000] =	vst v63  }
0xb3: {  	s25 =	sadd.s32 $0x18EA8, s23;
	s26 =	sadd.s32 $0x50, s22  }
0xb4: {  	[hbm4b:s26+s3] =	stream.linear.scatter [tilespmem:s25], [sflag:$0x5], $0x80, $0x38;
	[tilespmem:$0x1D000] =	vst v63  }
0xb5: {  	s25 =	sadd.s32 $0x18F30, s23;
	s26 =	sadd.s32 $0x60, s22  }
0xb6: {  	[hbm4b:s26+s3] =	stream.linear.scatter [tilespmem:s25], [sflag:$0x5], $0x80, $0x38;
	[tilespmem:$0x1D000] =	vst v63  }
0xb7: {  	s25 =	sadd.s32 $0x18FB8, s23;
	s26 =	sadd.s32 $0x70, s22  }
0xb8: {  	[hbm4b:s26+s3] =	stream.linear.scatter [tilespmem:s25], [sflag:$0x5], $0x80, $0x38;
	[tilespmem:$0x1D000] =	vst v63  }
0xb9: {  	s25 =	sadd.s32 $0x19040, s23;
	s26 =	sadd.s32 $0x80, s22  }
0xba: {  	[hbm4b:s26+s3] =	stream.linear.scatter [tilespmem:s25], [sflag:$0x5], $0x80, $0x38;
	[tilespmem:$0x1D000] =	vst v63  }
0xbb: {  	s25 =	sadd.s32 $0x190C8, s23;
	s26 =	sadd.s32 $0x90, s22  }
0xbc: {  	[hbm4b:s26+s3] =	stream.linear.scatter [tilespmem:s25], [sflag:$0x5], $0x80, $0x38;
	[tilespmem:$0x1D000] =	vst v63  }
0xbd: {  	s25 =	sadd.s32 $0x19150, s23;
	s26 =	sadd.s32 $0xA0, s22  }
0xbe: {  	[hbm4b:s26+s3] =	stream.linear.scatter [tilespmem:s25], [sflag:$0x5], $0x80, $0x38;
	[tilespmem:$0x1D000] =	vst v63  }
0xbf: {  	s25 =	sadd.s32 $0x191D8, s23;
	s26 =	sadd.s32 $0xB0, s22  }
0xc0: {  	[hbm4b:s26+s3] =	stream.linear.scatter [tilespmem:s25], [sflag:$0x5], $0x80, $0x38;
	[tilespmem:$0x1D000] =	vst v63  }
0xc1: {  	s25 =	sadd.s32 $0x19260, s23;
	s26 =	sadd.s32 $0xC0, s22  }
0xc2: {  	[hbm4b:s26+s3] =	stream.linear.scatter [tilespmem:s25], [sflag:$0x5], $0x80, $0x38;
	[tilespmem:$0x1D000] =	vst v63  }
.Ltmp4:
0xc3: {  	s25 =	sadd.s32 $0x192E8, s23;
	s26 =	sadd.s32 $0xD0, s22;
	(pc) =	sbr.rel @p0 .LBB2_9-.Ltmp4, $4  }
0xc4: {  	[hbm4b:s26+s3] =	stream.linear.scatter [tilespmem:s25], [sflag:$0x5], $0x80, $0x38;
	[tilespmem:$0x1D000] =	vst v63  }
0xc5: {  	s25 =	sadd.s32 $0x19370, s23;
	s26 =	sadd.s32 $0xE0, s22;
	s23 =	sadd.s32 $0x193F8, s23  }
0xc6: {  	[hbm4b:s26+s3] =	stream.linear.scatter [tilespmem:s25], [sflag:$0x5], $0x80, $0x38;
	[tilespmem:$0x1D000] =	vst v63  }
0xc7: {  	s26 =	sadd.s32 $0xF0, s22;
	s22 =	sadd.s32 $0x4000, s22;
	s25 =	smov.u32 s24  }
0xc8: {  	[hbm4b:s26+s3] =	stream.linear.scatter [tilespmem:s23], [sflag:$0x5], $0x80, $0x38;
	[tilespmem:$0x1D000] =	vst v63  }
0xc9: {  	s25 =	sadd.s32 $0x18C00, s21  }
0xca: {  	[hbm4b:s22+s3] =	stream.linear.scatter [tilespmem:s25], [sflag:$0x5], $0x80, $0x38;
	[tilespmem:$0x1D000] =	vst v63  }
0xcb: {  	s26 =	sadd.s32 $0x18C88, s21;
	s24 =	sadd.s32 $0x10, s22  }
0xcc: {  	[hbm4b:s24+s3] =	stream.linear.scatter [tilespmem:s26], [sflag:$0x5], $0x80, $0x38;
	[tilespmem:$0x1D000] =	vst v63  }
0xcd: {  	s28 =	sadd.s32 $0x18D10, s21;
	s29 =	sadd.s32 $0x20, s22  }
0xce: {  	[hbm4b:s29+s3] =	stream.linear.scatter [tilespmem:s28], [sflag:$0x5], $0x80, $0x38;
	[tilespmem:$0x1D000] =	vst v63  }
0xcf: {  	s30 =	sadd.s32 $0x18D98, s21;
	s31 =	sadd.s32 $0x30, s22  }
0xd0: {  	[hbm4b:s31+s3] =	stream.linear.scatter [tilespmem:s30], [sflag:$0x5], $0x80, $0x38;
	[tilespmem:$0x1D000] =	vst v63  }
0xd1: {  	s25 =	sadd.s32 $0x18E20, s21;
	s26 =	sadd.s32 $0x40, s22  }
0xd2: {  	[hbm4b:s26+s3] =	stream.linear.scatter [tilespmem:s25], [sflag:$0x5], $0x80, $0x38;
	[tilespmem:$0x1D000] =	vst v63  }
0xd3: {  	s28 =	sadd.s32 $0x18EA8, s21;
	s29 =	sadd.s32 $0x50, s22  }
0xd4: {  	[hbm4b:s29+s3] =	stream.linear.scatter [tilespmem:s28], [sflag:$0x5], $0x80, $0x38;
	[tilespmem:$0x1D000] =	vst v63  }
0xd5: {  	s30 =	sadd.s32 $0x18F30, s21;
	s31 =	sadd.s32 $0x60, s22  }
0xd6: {  	[hbm4b:s31+s3] =	stream.linear.scatter [tilespmem:s30], [sflag:$0x5], $0x80, $0x38;
	[tilespmem:$0x1D000] =	vst v63  }
0xd7: {  	s25 =	sadd.s32 $0x18FB8, s21;
	s26 =	sadd.s32 $0x70, s22  }
0xd8: {  	[hbm4b:s26+s3] =	stream.linear.scatter [tilespmem:s25], [sflag:$0x5], $0x80, $0x38;
	[tilespmem:$0x1D000] =	vst v63  }
0xd9: {  	s28 =	sadd.s32 $0x19040, s21;
	s29 =	sadd.s32 $0x80, s22  }
0xda: {  	[hbm4b:s29+s3] =	stream.linear.scatter [tilespmem:s28], [sflag:$0x5], $0x80, $0x38;
	[tilespmem:$0x1D000] =	vst v63  }
0xdb: {  	s30 =	sadd.s32 $0x190C8, s21;
	s31 =	sadd.s32 $0x90, s22  }
0xdc: {  	[hbm4b:s31+s3] =	stream.linear.scatter [tilespmem:s30], [sflag:$0x5], $0x80, $0x38;
	[tilespmem:$0x1D000] =	vst v63  }
0xdd: {  	s25 =	sadd.s32 $0x19150, s21;
	s26 =	sadd.s32 $0xA0, s22  }
0xde: {  	[hbm4b:s26+s3] =	stream.linear.scatter [tilespmem:s25], [sflag:$0x5], $0x80, $0x38;
	[tilespmem:$0x1D000] =	vst v63  }
0xdf: {  	s28 =	sadd.s32 $0x191D8, s21;
	s29 =	sadd.s32 $0xB0, s22  }
0xe0: {  	[hbm4b:s29+s3] =	stream.linear.scatter [tilespmem:s28], [sflag:$0x5], $0x80, $0x38;
	[tilespmem:$0x1D000] =	vst v63  }
0xe1: {  	p0 =	seq.s32 s19, $0x63;
	s30 =	sadd.s32 $0x19260, s21;
	s31 =	sadd.s32 $0xC0, s22  }
0xe2: {  	[hbm4b:s31+s3] =	stream.linear.scatter [tilespmem:s30], [sflag:$0x5], $0x80, $0x38;
	[tilespmem:$0x1D000] =	vst v63  }
0xe3: {  	s19 =	sshll.u32 @!p0 s20, $0x9;
	s25 =	sadd.s32 $0x192E8, s21;
	s26 =	sadd.s32 $0xD0, s22  }
0xe4: {  	[hbm4b:s26+s3] =	stream.linear.scatter [tilespmem:s25], [sflag:$0x5], $0x80, $0x38;
	[tilespmem:$0x1D000] =	vst v63  }
0xe5: {  	p1 =	sne.s32 @!p0 s20, $0x64;
	s28 =	sadd.s32 $0x19370, s21;
	s29 =	sadd.s32 $0xE0, s22  }
0xe6: {  	[hbm4b:s29+s3] =	stream.linear.scatter [tilespmem:s28], [sflag:$0x5], $0x80, $0x38;
	[tilespmem:$0x1D000] =	vst v63  }
0xe7: {  	s19 =	sand.u32 @!p0 $0x3FFFFE00, s19;
	s30 =	sadd.s32 $0x193F8, s21;
	s31 =	sadd.s32 $0xF0, s22  }
0xe8: {  	[hbm4b:s31+s3] =	stream.linear.scatter [tilespmem:s30], [sflag:$0x5], $0x80, $0x38;
	[tilespmem:$0x1D000] =	vst v63  }
0xe9: {  	s19 =	sor.u32 @!p0 $0x100, s19;
	s21 =	simm.s32 @!p0 $0x100;
	s22 =	simm.s32 @!p0 $0x10800  }
0xea: {  	[tilespmem:s22], [sflag:$0x3] =	stream.indirect.gather @!p0 [hbm4b:s4+s21], $0x40, s19, s21, $0xb8;
	[tilespmem:$0x1D000] =	vst v63  }
0xeb: {  	p0 =	por p0, !p1  }
.Ltmp5:
0xec: {  	_ = 	snop;
	(pc) =	sbr.rel @!p0 .LBB2_2-.Ltmp5, $2  }
0xed: {  	_ =	sdelay $0x2  }
0xee: {  	s19 =	smov.u32 s20  }
0xef: {  	s18 =	sadd.s32 $0x1, s18  }
0xf0: {  	_ =	swait.ge [sflag:s17], $0x4000;
	p0 =	sne.s32 s18, s7  }
.Ltmp6:
0xf1: {  	[sflag:s17] =	ssyncset.done $0x0;
	(pc) =	sbr.rel @p0 .LBB2_1-.Ltmp6, $4  }
0xf2: {  	[sflag:s17] =	ssyncadd.s32 $0xFFFFC000  }
0xf3: {  	_ =	swait.ge [sflag:s16], $0x4000  }
0xf4: {  	[sflag:s16] =	ssyncset.done $0x0  }
0xf5: {  	[sflag:s16] =	ssyncadd.s32 $0xFFFFC000  }
0xf6: {  	_ =	sfence.sel $0x180000  }
0xf7: {  	[bflag:$0x0] =	sbarrier.arrive $0xFFFF  }
0xf8: {  	p0 =	sne.s32 s1, $0x0;
	_ =	strace $0x90000047  }
0xf9: {  	s0 =	sadd.s32 @!p0 $0x100000, s0;
	[bflag:$0x2] =	sbarrier.arrive $0xFFFF  }
0xfa: {  	[sflag:s0] =	ssyncadd.tile.s32 @!p0 $0x1;
	_ =	shalt  }
.Lfunc_end2:
_tile_overlayer_lowered:
.L_overlay_start_2:
0xfb: {  	(tag) =	ssettag $0x2  }
0xfc: {  	s0 =	rddreg [dreg:$0x0];
	s2 =	stileid.u32  }
0xfd: {  	s1 =	rddreg [dreg:$0x1];
	p0 =	sne.s32 s2, $0x0  }
0xfe: {  	s3 =	rddreg [dreg:$0x2];
	[bflag:$0x3] =	sbarrier.arrive $0xFFFF;
	s2 =	simm.s32 @!p0 $0x1C06  }
0xff: {  	[timem:s3], [sflag:s2] =	dma.local @!p0 [hbm:s0], s1  }
0x100: {  	s0 =	simm.s32 @!p0 $0x6  }
0x101: {  	_ =	swait.ge @!p0 [sflag:s0], s1  }
0x102: {  	s1 =	ssub.s32 @!p0 $0x0, s1;
	[sflag:s0] =	ssyncset.done @!p0 $0x0  }
0x103: {  	[sflag:s0] =	ssyncadd.s32 @!p0 s1  }
0x104: {  	[bflag:$0x3] =	sbarrier.arrive $0xFFFF  }
0x105: {  	_ =	shalt  }

</sc_bundles>
